<compile_context>
chip_gen: v7x
topology: tpu7x:2x2x1
jax: 0.10.2.dev20260603
libtpu: 0.0.44.dev20260713+nightly
codegen_flags: <defaults>
</compile_context>

<pallas_src>
import functools

import jax
import jax.numpy as jnp
from jax import lax
from jax.experimental import pallas as pl
from jax.experimental.pallas import tpu as pltpu
from jax.experimental.pallas import tpu_sc as plsc

_N = 4096
_L = 16
_NW = 32
_NT = 1792
_NS = _N - _NT
_RPW = _NS // _NW
_BR = 256
_W = 0.1
_BIG = 3.0e38
_CAP = 256


def _sc_body(xs_h, ys_h, zs_h, cr_h, cg_h, cb_h, bestd_h, smooth_h,
             xs, ys, zs, cr, cg, cb, d2buf, candi, vec16, bestbuf, smbuf,
             dsem):
    cax = lax.axis_index("c")
    sax = lax.axis_index("s")
    wid = sax * 2 + cax
    row0 = _NT + wid * _RPW
    cps = [pltpu.async_copy(s, d, dsem)
           for s, d in ((xs_h, xs), (ys_h, ys), (zs_h, zs),
                        (cr_h, cr), (cg_h, cg), (cb_h, cb))]
    for cp in cps:
        cp.wait()
    lanes = lax.broadcasted_iota(jnp.int32, (_L,), 0)
    nbmask = (lanes >= 1) & (lanes <= 5)
    bigv = jnp.full((_L,), _BIG, jnp.float32)
    d2buf[pl.ds(_N, _L)] = bigv

    def row_body(r, carry):
        gi = row0 + r
        gsplat = jnp.full((_L,), gi, jnp.int32)
        xi = plsc.load_gather(xs, [gsplat])
        yi = plsc.load_gather(ys, [gsplat])
        zi = plsc.load_gather(zs, [gsplat])

        @plsc.parallel_loop(0, _N, _L, unroll=8, carry=bigv)
        def lane_min(off, m):
            dx = xs[pl.ds(off, _L)] - xi
            dy = ys[pl.ds(off, _L)] - yi
            dz = zs[pl.ds(off, _L)] - zi
            d2 = dx * dx + dy * dy + dz * dz
            d2buf[pl.ds(off, _L)] = d2
            return jnp.minimum(m, d2)
        vec16[...] = lax.sort(lane_min)
        tvec = plsc.load_gather(vec16, [jnp.full((_L,), 5, jnp.int32)])

        laneoff = lanes * (_CAP + 1)
        ones16 = jnp.full((_L,), 1, jnp.int32)

        @plsc.parallel_loop(0, _N, _L, unroll=8,
                            carry=(jnp.zeros((_L,), jnp.int32), lanes))
        def p2res(off, carry2):
            cnts, idxv = carry2
            v = d2buf[pl.ds(off, _L)]
            m = v <= tvec
            plsc.store_scatter(candi, [laneoff + cnts], idxv, mask=m)
            return (cnts + jnp.where(m, 1, 0), idxv + _L)

        cnts, _ = p2res
        plsc.store_scatter(candi, [laneoff + cnts],
                           jnp.full((_L,), _N, jnp.int32))
        nmax = jnp.max(cnts) + 1

        def pm(k, bvbi):
            bv, bi = bvbi
            kv = jnp.full((_L,), k, jnp.int32)
            ci_ = plsc.load_gather(candi, [laneoff + kv])
            ci_ = jnp.where(kv <= cnts, ci_, _N)
            cv = plsc.load_gather(d2buf, [ci_])
            cvs, cis = plsc.sort_key_val(cv, ci_)
            rv = lax.rev(cvs, (0,))
            ri = lax.rev(cis, (0,))
            sel = bv <= rv
            mv = jnp.where(sel, bv, rv)
            mi = jnp.where(sel, bi, ri)
            res = plsc.sort_key_val(mv, mi)
            return (res[0], res[1])

        bv, bi = lax.fori_loop(0, nmax, pm,
                               (bigv, jnp.zeros((_L,), jnp.int32)))
        bic = jnp.minimum(bi, _N - 1)
        cri = plsc.load_gather(cr, [gsplat])
        cgi = plsc.load_gather(cg, [gsplat])
        cbi = plsc.load_gather(cb, [gsplat])
        crj = plsc.load_gather(cr, [bic])
        cgj = plsc.load_gather(cg, [bic])
        cbj = plsc.load_gather(cb, [bic])
        diff = (jnp.abs(crj - cri) + jnp.abs(cgj - cgi) + jnp.abs(cbj - cbi))
        smbuf[pl.ds(r * _L, _L)] = jnp.where(nbmask, diff, 0.0)
        bestbuf[pl.ds(r * _L, _L)] = bv
        return carry

    lax.fori_loop(0, _RPW, row_body, 0)
    pltpu.sync_copy(bestbuf, bestd_h.at[pl.ds(wid * _RPW * _L, _RPW * _L)])
    pltpu.sync_copy(smbuf, smooth_h.at[pl.ds(wid * _RPW * _L, _RPW * _L)])


_sc_knn = functools.partial(
    pl.kernel,
    out_type=[jax.ShapeDtypeStruct((_NS * _L,), jnp.float32),
              jax.ShapeDtypeStruct((_NS * _L,), jnp.float32)],
    mesh=plsc.VectorSubcoreMesh(core_axis_name="c", subcore_axis_name="s"),
    compiler_params=pltpu.CompilerParams(needs_layout_passes=False),
    scratch_types=[
        pltpu.VMEM((_N,), jnp.float32),
        pltpu.VMEM((_N,), jnp.float32),
        pltpu.VMEM((_N,), jnp.float32),
        pltpu.VMEM((_N,), jnp.float32),
        pltpu.VMEM((_N,), jnp.float32),
        pltpu.VMEM((_N,), jnp.float32),
        pltpu.VMEM((_N + _L,), jnp.float32),
        pltpu.VMEM((_L * (_CAP + 1),), jnp.int32),
        pltpu.VMEM((_L,), jnp.float32),
        pltpu.VMEM((_RPW * _L,), jnp.float32),
        pltpu.VMEM((_RPW * _L,), jnp.float32),
        pltpu.SemaphoreType.DMA,
    ],
)(_sc_body)


def _tc_knn_body(pos_all, col_all, scl_all, rot_all, out_ref):
    step = pl.program_id(0)
    x = pos_all[pl.ds(step * _BR, _BR), :]
    xa = pos_all[...]
    sqi = jnp.sum(x * x, axis=1, keepdims=True)
    sqj = jnp.sum(xa * xa, axis=1)[None, :]
    xy = jax.lax.dot_general(x, xa, (((1,), (1,)), ((), ())),
                             preferred_element_type=jnp.float32)
    d2 = sqi + sqj - 2.0 * xy
    d = jnp.sqrt(jnp.maximum(d2, 1e-12))
    iota = lax.broadcasted_iota(jnp.int32, (_BR, _N), 1)
    rows = step * _BR + lax.broadcasted_iota(jnp.int32, (_BR, _N), 0)
    big = jnp.float32(jnp.inf)
    d = jnp.where(iota == rows, big, d)
    ci = col_all[pl.ds(step * _BR, _BR), :]
    ca = col_all[...]
    sm = jnp.zeros((_BR,), jnp.float32)
    e2 = jnp.zeros((_BR,), jnp.float32)
    for it in range(5):
        m = jnp.min(d, axis=1)
        am = jnp.min(jnp.where(d == m[:, None], iota, _N), axis=1)
        sel = iota == am[:, None]
        oh = sel.astype(jnp.float32)
        cnb = jax.lax.dot_general(oh, ca, (((1,), (0,)), ((), ())),
                                  preferred_element_type=jnp.float32)
        sm = sm + jnp.sum(jnp.abs(ci - cnb), axis=1)
        if it == 1:
            e2 = m
        d = jnp.where(sel, big, d)
    partial = (_W * jnp.sum(jnp.exp(-e2)) + _W * jnp.sum(sm) / 15.0) / _N

    @pl.when(step == 0)
    def _init():
        s = scl_all[...]
        scale_part = jnp.sum(jnp.abs(s - 1.0)) / 3.0
        mu = jnp.mean(s, axis=1, keepdims=True)
        var_part = jnp.sum((s - mu) ** 2) / 2.0
        q = rot_all[...]
        qn = jnp.sqrt(jnp.sum(q * q, axis=1))
        rot_part = jnp.sum((qn - 1.0) ** 2)
        call = col_all[...]
        col_part = jnp.sum((call - 0.5) ** 2) / 3.0
        dense = (_W * (scale_part + var_part) + _W * rot_part
                 + _W * col_part) / _N
        out_ref[...] = jnp.reshape(dense, (1, 1))

    out_ref[...] += jnp.reshape(partial, (1, 1))


def _tc_fin_body(bd_ref, sm_ref, tcp_ref, out_ref):
    bd = bd_ref[...]
    lane = lax.broadcasted_iota(jnp.int32, bd.shape, 1) % _L
    d = jnp.sqrt(jnp.maximum(bd, 1e-12))
    pos_sum = jnp.sum(jnp.where(lane == 2, jnp.exp(-d), 0.0))
    smooth_sum = jnp.sum(sm_ref[...]) / 15.0
    total = (_W * pos_sum + _W * smooth_sum) / _N
    out_ref[...] = tcp_ref[...] + jnp.reshape(total, (1, 1))


def kernel(positions, scales, rotations, colors):
    xs = positions[:, 0]
    ys = positions[:, 1]
    zs = positions[:, 2]
    cr = colors[:, 0]
    cg = colors[:, 1]
    cb = colors[:, 2]
    bestd, smooth = _sc_knn(xs, ys, zs, cr, cg, cb)
    tcpart = pl.pallas_call(
        _tc_knn_body,
        grid=(_NT // _BR,),
        in_specs=[
            pl.BlockSpec((_N, 3), lambda i: (0, 0)),
            pl.BlockSpec((_N, 3), lambda i: (0, 0)),
            pl.BlockSpec((_N, 3), lambda i: (0, 0)),
            pl.BlockSpec((_N, 4), lambda i: (0, 0)),
        ],
        out_specs=pl.BlockSpec((1, 1), lambda i: (0, 0)),
        out_shape=jax.ShapeDtypeStruct((1, 1), jnp.float32),
    )(positions, colors, scales, rotations)
    out = pl.pallas_call(
        _tc_fin_body,
        out_shape=jax.ShapeDtypeStruct((1, 1), jnp.float32),
    )(bestd.reshape(_NS * _L // 128, 128), smooth.reshape(_NS * _L // 128, 128),
      tcpart)
    return out[0, 0]

# --- scband reference (transcript-rebuilt; emitter-appended) ---
"""Pipeline reference for scband-gaussian-regularization-loss-68573447847949 (READ-ONLY COPY).

The authoritative reference and input builder live on the scoring server;
editing this copy changes nothing except your own understanding.
"""

import jax, jax.numpy as jnp
import numpy as np

N = 4096

def _cdist(x):
    sq = jnp.sum(x * x, axis=-1)
    d2 = sq[:, None] + sq[None, :] - 2.0 * (x @ x.T)
    return jnp.sqrt(jnp.maximum(d2, 1e-12))

def setup_inputs(seed: int = 0) -> dict:
    key = jax.random.key(seed)
    k1, k2, k3, k4 = jax.random.split(key, 4)
    return {
        "positions": jax.random.normal(k1, (N, 3), dtype=jnp.float32),
        "scales": jax.random.uniform(k2, (N, 3), dtype=jnp.float32),
        "rotations": jax.random.normal(k3, (N, 4), dtype=jnp.float32),
        "colors": jax.random.uniform(k4, (N, 3), dtype=jnp.float32),
    }

def reference(positions, scales, rotations, colors):
    n = positions.shape[0]
    position_weight = scale_weight = rotation_weight = color_weight = 0.1
    # position regularization: distance to nearest other gaussian
    dist_matrix = _cdist(positions)
    neg = -(dist_matrix + jnp.eye(n, dtype=positions.dtype) * 1e6)
    vals, _ = jax.lax.top_k(neg, 2)  # two smallest distances
    min_distances = -vals[:, 1]
    position_loss = jnp.mean(jnp.exp(-min_distances))
    # scale regularization
    scale_loss = jnp.mean(jnp.abs(scales - 1.0))
    anisotropy_loss = jnp.mean(jnp.var(scales, axis=-1, ddof=1))
    scale_total = scale_loss + anisotropy_loss
    # rotation regularization
    quaternion_norms = jnp.sqrt(jnp.sum(rotations * rotations, axis=-1))
    norm_loss = jnp.mean((quaternion_norms - 1.0) ** 2)
    # color regularization
    color_loss = jnp.mean((colors - 0.5) ** 2)
    k = min(5, n - 1)
    _, nearest_indices = jax.lax.top_k(-dist_matrix, k + 1)  # k+1 smallest distances (incl. self)
    nearest_indices = nearest_indices[:, 1:]
    neighbor_colors = colors[nearest_indices]               # [N, k, 3]
    per_i = jnp.mean(jnp.abs(colors[:, None, :] - neighbor_colors), axis=(1, 2))
    color_smoothness = jnp.sum(per_i)
    color_loss = color_loss + color_smoothness / max(1, n)
    total = (position_weight * position_loss + scale_weight * scale_total
             + rotation_weight * norm_loss + color_weight * color_loss)
    return total

if __name__ == "__main__":
    import jax
    _d = setup_inputs()
    print(jax.jit(kernel)(*tuple(_d.values())))

</pallas_src>

<mosaic_0001>
#map = affine_map<(d0, d1) -> (0)>
module attributes {stable_mosaic.version = 14 : i64} {
  func.func @_sc_body(%arg0: i32, %arg1: i32, %arg2: memref<4096xf32, #tpu.memory_space<hbm>>, %arg3: memref<4096xf32, #tpu.memory_space<hbm>>, %arg4: memref<4096xf32, #tpu.memory_space<hbm>>, %arg5: memref<4096xf32, #tpu.memory_space<hbm>>, %arg6: memref<4096xf32, #tpu.memory_space<hbm>>, %arg7: memref<4096xf32, #tpu.memory_space<hbm>>, %arg8: memref<36864xf32, #tpu.memory_space<hbm>>, %arg9: memref<36864xf32, #tpu.memory_space<hbm>>, %arg10: memref<4096xf32, #tpu.memory_space<vmem>>, %arg11: memref<4096xf32, #tpu.memory_space<vmem>>, %arg12: memref<4096xf32, #tpu.memory_space<vmem>>, %arg13: memref<4096xf32, #tpu.memory_space<vmem>>, %arg14: memref<4096xf32, #tpu.memory_space<vmem>>, %arg15: memref<4096xf32, #tpu.memory_space<vmem>>, %arg16: memref<4112xf32, #tpu.memory_space<vmem>>, %arg17: memref<4112xi32, #tpu.memory_space<vmem>>, %arg18: memref<16xf32, #tpu.memory_space<vmem>>, %arg19: memref<1152xf32, #tpu.memory_space<vmem>>, %arg20: memref<1152xf32, #tpu.memory_space<vmem>>, %arg21: memref<!tpu.dma_semaphore, #tpu.memory_space<semaphore_mem>>) attributes {dimension_semantics = [#tpu.dimension_semantics<core_parallel>, #tpu.dimension_semantics<subcore_parallel>], iteration_bounds = array<i64: 2, 16>, scalar_prefetch = 0 : i64, scratch_operands = 12 : i64, tpu.core_type = #tpu.core_type<sc_vector_subcore>, window_params = [{transform_indices = #map}, {transform_indices = #map}, {transform_indices = #map}, {transform_indices = #map}, {transform_indices = #map}, {transform_indices = #map}, {transform_indices = #map}, {transform_indices = #map}]} {
    %mul3A = arith.constant 2 : i32
    %mul3A_0 = arith.muli %arg1, %mul3A : i32
    %add3A = arith.addi %mul3A_0, %arg0 : i32
    %mul3A_1 = arith.constant 72 : i32
    %mul3A_2 = arith.muli %add3A, %mul3A_1 : i32
    %add3A_3 = arith.constant 1792 : i32
    %add3A_4 = arith.addi %add3A_3, %mul3A_2 : i32
    tpu.enqueue_dma source(%arg2 : memref<4096xf32, #tpu.memory_space<hbm>>) target(%arg10 : memref<4096xf32, #tpu.memory_space<vmem>>) target_semaphore(%arg21 : memref<!tpu.dma_semaphore, #tpu.memory_space<semaphore_mem>>)
    tpu.enqueue_dma source(%arg3 : memref<4096xf32, #tpu.memory_space<hbm>>) target(%arg11 : memref<4096xf32, #tpu.memory_space<vmem>>) target_semaphore(%arg21 : memref<!tpu.dma_semaphore, #tpu.memory_space<semaphore_mem>>)
    tpu.enqueue_dma source(%arg4 : memref<4096xf32, #tpu.memory_space<hbm>>) target(%arg12 : memref<4096xf32, #tpu.memory_space<vmem>>) target_semaphore(%arg21 : memref<!tpu.dma_semaphore, #tpu.memory_space<semaphore_mem>>)
    tpu.enqueue_dma source(%arg5 : memref<4096xf32, #tpu.memory_space<hbm>>) target(%arg13 : memref<4096xf32, #tpu.memory_space<vmem>>) target_semaphore(%arg21 : memref<!tpu.dma_semaphore, #tpu.memory_space<semaphore_mem>>)
    tpu.enqueue_dma source(%arg6 : memref<4096xf32, #tpu.memory_space<hbm>>) target(%arg14 : memref<4096xf32, #tpu.memory_space<vmem>>) target_semaphore(%arg21 : memref<!tpu.dma_semaphore, #tpu.memory_space<semaphore_mem>>)
    tpu.enqueue_dma source(%arg7 : memref<4096xf32, #tpu.memory_space<hbm>>) target(%arg15 : memref<4096xf32, #tpu.memory_space<vmem>>) target_semaphore(%arg21 : memref<!tpu.dma_semaphore, #tpu.memory_space<semaphore_mem>>)
    tpu.wait_dma2 semaphore(%arg21 : memref<!tpu.dma_semaphore, #tpu.memory_space<semaphore_mem>>) src(%arg2 : memref<4096xf32, #tpu.memory_space<hbm>>) dst(%arg10 : memref<4096xf32, #tpu.memory_space<vmem>>)
    tpu.wait_dma2 semaphore(%arg21 : memref<!tpu.dma_semaphore, #tpu.memory_space<semaphore_mem>>) src(%arg3 : memref<4096xf32, #tpu.memory_space<hbm>>) dst(%arg11 : memref<4096xf32, #tpu.memory_space<vmem>>)
    tpu.wait_dma2 semaphore(%arg21 : memref<!tpu.dma_semaphore, #tpu.memory_space<semaphore_mem>>) src(%arg4 : memref<4096xf32, #tpu.memory_space<hbm>>) dst(%arg12 : memref<4096xf32, #tpu.memory_space<vmem>>)
    tpu.wait_dma2 semaphore(%arg21 : memref<!tpu.dma_semaphore, #tpu.memory_space<semaphore_mem>>) src(%arg5 : memref<4096xf32, #tpu.memory_space<hbm>>) dst(%arg13 : memref<4096xf32, #tpu.memory_space<vmem>>)
    tpu.wait_dma2 semaphore(%arg21 : memref<!tpu.dma_semaphore, #tpu.memory_space<semaphore_mem>>) src(%arg6 : memref<4096xf32, #tpu.memory_space<hbm>>) dst(%arg14 : memref<4096xf32, #tpu.memory_space<vmem>>)
    tpu.wait_dma2 semaphore(%arg21 : memref<!tpu.dma_semaphore, #tpu.memory_space<semaphore_mem>>) src(%arg7 : memref<4096xf32, #tpu.memory_space<hbm>>) dst(%arg15 : memref<4096xf32, #tpu.memory_space<vmem>>)
    %iota3A = tpu.iota {dimensions = array<i32: 0>} : vector<16xi32>
    %ge3A = arith.constant 1 : i32
    %ge3A_5 = vector.broadcast %ge3A : i32 to vector<16xi32>
    %ge3A_6 = arith.cmpi sge, %iota3A, %ge3A_5 : vector<16xi32>
    %le3A = arith.constant 5 : i32
    %le3A_7 = vector.broadcast %le3A : i32 to vector<16xi32>
    %le3A_8 = arith.cmpi sle, %iota3A, %le3A_7 : vector<16xi32>
    %and3A = arith.andi %ge3A_6, %le3A_8 : vector<16xi1>
    %broadcast_in_dim3A = arith.constant 3.000000e+38 : f32
    %broadcast_in_dim3A_9 = vector.broadcast %broadcast_in_dim3A : f32 to vector<16xf32>
    %swap3A = arith.constant 4096 : index
    %swap3A_10 = tpu.vector_load %arg16[%swap3A] {strides = array<i32>} : memref<4112xf32, #tpu.memory_space<vmem>>, vector<16xf32>,
    tpu.vector_store %arg16[%swap3A], %broadcast_in_dim3A_9 {strides = array<i32>} : memref<4112xf32, #tpu.memory_space<vmem>>, vector<16xf32>,
    %scan3A = arith.constant 0 : i32
    %scan3A_11 = arith.constant 0 : i32
    %scan3A_12 = arith.constant 72 : i32
    %scan3A_13 = arith.addi %scan3A_11, %scan3A_12 : i32
    %scan3A_14 = arith.constant 1 : i32
    scf.for %scan3A_24 = %scan3A_11 to %scan3A_13 step %scan3A_14  : i32 {
      %add3A_25 = arith.addi %add3A_4, %scan3A_24 : i32
      %broadcast_in_dim3A_26 = vector.broadcast %add3A_25 : i32 to vector<16xi32>
      %gather3A = tpu.vector_load_idx %arg10[%broadcast_in_dim3A_26] : memref<4096xf32, #tpu.memory_space<vmem>>[vector<16xi32>], vector<16xf32>,
      %gather3A_27 = tpu.vector_load_idx %arg11[%broadcast_in_dim3A_26] : memref<4096xf32, #tpu.memory_space<vmem>>[vector<16xi32>], vector<16xf32>,
      %gather3A_28 = tpu.vector_load_idx %arg12[%broadcast_in_dim3A_26] : memref<4096xf32, #tpu.memory_space<vmem>>[vector<16xi32>], vector<16xf32>,
      %parallel_loop3A = arith.constant 0 : i32
      %parallel_loop3A_29 = arith.constant 4096 : i32
      %parallel_loop3A_30 = arith.constant 16 : i32
      %parallel_loop3A_31 = scf.for %parallel_loop3A_98 = %parallel_loop3A to %parallel_loop3A_29 step %parallel_loop3A_30 iter_args(%parallel_loop3A_99 = %broadcast_in_dim3A_9) -> (vector<16xf32>)  : i32 {
        %parallel_loop3A_100 = arith.index_cast %parallel_loop3A_98 : i32 to index
        %parallel_loop3A_101 = tpu.vector_load %arg10[%parallel_loop3A_100] {strides = array<i32>} : memref<4096xf32, #tpu.memory_space<vmem>>, vector<16xf32>,
        %parallel_loop3A_102 = arith.subf %parallel_loop3A_101, %gather3A : vector<16xf32>
        %parallel_loop3A_103 = arith.index_cast %parallel_loop3A_98 : i32 to index
        %parallel_loop3A_104 = tpu.vector_load %arg11[%parallel_loop3A_103] {strides = array<i32>} : memref<4096xf32, #tpu.memory_space<vmem>>, vector<16xf32>,
        %parallel_loop3A_105 = arith.subf %parallel_loop3A_104, %gather3A_27 : vector<16xf32>
        %parallel_loop3A_106 = arith.index_cast %parallel_loop3A_98 : i32 to index
        %parallel_loop3A_107 = tpu.vector_load %arg12[%parallel_loop3A_106] {strides = array<i32>} : memref<4096xf32, #tpu.memory_space<vmem>>, vector<16xf32>,
        %parallel_loop3A_108 = arith.subf %parallel_loop3A_107, %gather3A_28 : vector<16xf32>
        %parallel_loop3A_109 = arith.mulf %parallel_loop3A_102, %parallel_loop3A_102 : vector<16xf32>
        %parallel_loop3A_110 = arith.mulf %parallel_loop3A_105, %parallel_loop3A_105 : vector<16xf32>
        %parallel_loop3A_111 = arith.addf %parallel_loop3A_109, %parallel_loop3A_110 : vector<16xf32>
        %parallel_loop3A_112 = arith.mulf %parallel_loop3A_108, %parallel_loop3A_108 : vector<16xf32>
        %parallel_loop3A_113 = arith.addf %parallel_loop3A_111, %parallel_loop3A_112 : vector<16xf32>
        %parallel_loop3A_114 = arith.index_cast %parallel_loop3A_98 : i32 to index
        %parallel_loop3A_115 = tpu.vector_load %arg16[%parallel_loop3A_114] {strides = array<i32>} : memref<4112xf32, #tpu.memory_space<vmem>>, vector<16xf32>,
        tpu.vector_store %arg16[%parallel_loop3A_114], %parallel_loop3A_113 {strides = array<i32>} : memref<4112xf32, #tpu.memory_space<vmem>>, vector<16xf32>,
        %parallel_loop3A_116 = arith.minimumf %parallel_loop3A_99, %parallel_loop3A_113 : vector<16xf32>
        scf.yield %parallel_loop3A_116 : vector<16xf32>
      } {sc.loop_unroll_factor = 8 : i64, sc.parallel_access}
      %sort3A = arith.constant dense<true> : vector<16xi1>
      %sort3A_32, %sort3A_33, %sort3A_34 = tpu.sort %parallel_loop3A_31, %parallel_loop3A_31 masked %sort3A : (vector<16xf32>, vector<16xf32>, vector<16xi1>) -> (vector<16xi1>, vector<16xf32>, vector<16xf32>)
      %swap3A_35 = arith.constant 0 : index
      %swap3A_36 = tpu.vector_load %arg18[%swap3A_35] {strides = array<i32>} : memref<16xf32, #tpu.memory_space<vmem>>, vector<16xf32>,
      tpu.vector_store %arg18[%swap3A_35], %sort3A_33 {strides = array<i32>} : memref<16xf32, #tpu.memory_space<vmem>>, vector<16xf32>,
      %broadcast_in_dim3A_37 = arith.constant 5 : i32
      %broadcast_in_dim3A_38 = vector.broadcast %broadcast_in_dim3A_37 : i32 to vector<16xi32>
      %gather3A_39 = tpu.vector_load_idx %arg18[%broadcast_in_dim3A_38] : memref<16xf32, #tpu.memory_space<vmem>>[vector<16xi32>], vector<16xf32>,
      %mul3A_40 = arith.constant 257 : i32
      %mul3A_41 = vector.broadcast %mul3A_40 : i32 to vector<16xi32>
      %mul3A_42 = arith.muli %iota3A, %mul3A_41 : vector<16xi32>
      %broadcast_in_dim3A_43 = arith.constant 1 : i32
      %broadcast_in_dim3A_44 = vector.broadcast %broadcast_in_dim3A_43 : i32 to vector<16xi32>
      %broadcast_in_dim3A_45 = arith.constant 0 : i32
      %broadcast_in_dim3A_46 = vector.broadcast %broadcast_in_dim3A_45 : i32 to vector<16xi32>
      %parallel_loop3A_47 = arith.constant 0 : i32
      %parallel_loop3A_48 = arith.constant 4096 : i32
      %parallel_loop3A_49 = arith.constant 16 : i32
      %parallel_loop3A_50:2 = scf.for %parallel_loop3A_98 = %parallel_loop3A_47 to %parallel_loop3A_48 step %parallel_loop3A_49 iter_args(%parallel_loop3A_99 = %broadcast_in_dim3A_46, %parallel_loop3A_100 = %iota3A) -> (vector<16xi32>, vector<16xi32>)  : i32 {
        %parallel_loop3A_101 = arith.index_cast %parallel_loop3A_98 : i32 to index
        %parallel_loop3A_102 = tpu.vector_load %arg16[%parallel_loop3A_101] {strides = array<i32>} : memref<4112xf32, #tpu.memory_space<vmem>>, vector<16xf32>,
        %parallel_loop3A_103 = arith.cmpf ole, %parallel_loop3A_102, %gather3A_39 : vector<16xf32>
        %parallel_loop3A_104 = arith.addi %mul3A_42, %parallel_loop3A_99 : vector<16xi32>
        tpu.vector_store_idx %arg17[%parallel_loop3A_104], %parallel_loop3A_100 masked %parallel_loop3A_103 : memref<4112xi32, #tpu.memory_space<vmem>>[vector<16xi32>], vector<16xi32>, vector<16xi1>
        %parallel_loop3A_105 = arith.constant 1 : i32
        %parallel_loop3A_106 = arith.constant 0 : i32
        %parallel_loop3A_107 = vector.broadcast %parallel_loop3A_105 : i32 to vector<16xi32>
        %parallel_loop3A_108 = vector.broadcast %parallel_loop3A_106 : i32 to vector<16xi32>
        %parallel_loop3A_109 = arith.select %parallel_loop3A_103, %parallel_loop3A_107, %parallel_loop3A_108 : vector<16xi1>, vector<16xi32>
        %parallel_loop3A_110 = arith.addi %parallel_loop3A_99, %parallel_loop3A_109 : vector<16xi32>
        %parallel_loop3A_111 = arith.constant 16 : i32
        %parallel_loop3A_112 = vector.broadcast %parallel_loop3A_111 : i32 to vector<16xi32>
        %parallel_loop3A_113 = arith.addi %parallel_loop3A_100, %parallel_loop3A_112 : vector<16xi32>
        scf.yield %parallel_loop3A_110, %parallel_loop3A_113 : vector<16xi32>, vector<16xi32>
      } {sc.loop_unroll_factor = 8 : i64, sc.parallel_access}
      %add3A_51 = arith.addi %mul3A_42, %parallel_loop3A_50#0 : vector<16xi32>
      %broadcast_in_dim3A_52 = arith.constant 4096 : i32
      %broadcast_in_dim3A_53 = vector.broadcast %broadcast_in_dim3A_52 : i32 to vector<16xi32>
      tpu.vector_store_idx %arg17[%add3A_51], %broadcast_in_dim3A_53 : memref<4112xi32, #tpu.memory_space<vmem>>[vector<16xi32>], vector<16xi32>,
      %reduce_max3A = arith.constant true
      %reduce_max3A_54 = vector.broadcast %reduce_max3A : i1 to vector<16xi1>
      %reduce_max3A_55 = arith.constant -2147483648 : i32
      %reduce_max3A_56 = vector.broadcast %reduce_max3A_55 : i32 to vector<16xi32>
      %reduce_max3A_57 = arith.xori %parallel_loop3A_50#0, %reduce_max3A_56 : vector<16xi32>
      %reduce_max3A_58 = tpu.scan <max>, %reduce_max3A_57 masked %reduce_max3A_54 : vector<16xi32>, vector<16xi1> -> vector<16xi32>
      %reduce_max3A_59 = arith.xori %reduce_max3A_58, %reduce_max3A_56 : vector<16xi32>
      %reduce_max3A_60 = vector.extract %reduce_max3A_59[15] : i32 from vector<16xi32>
      %add3A_61 = arith.constant 1 : i32
      %add3A_62 = arith.addi %reduce_max3A_60, %add3A_61 : i32
      %broadcast_in_dim3A_63 = arith.constant 0 : i32
      %broadcast_in_dim3A_64 = vector.broadcast %broadcast_in_dim3A_63 : i32 to vector<16xi32>
      %while3A = arith.constant 0 : i32
      %while3A_65 = arith.subi %add3A_62, %while3A : i32
      %while3A_66 = arith.addi %while3A, %while3A_65 : i32
      %while3A_67 = arith.constant 1 : i32
      %while3A_68 = arith.divsi %while3A_65, %while3A_67 : i32
      %while3A_69 = arith.muli %while3A_68, %while3A_67 : i32
      %while3A_70 = arith.addi %while3A, %while3A_69 : i32
      %while3A_71 = arith.constant 1 : i32
      %while3A_72:2 = scf.for %while3A_98 = %while3A to %while3A_70 step %while3A_71 iter_args(%while3A_99 = %broadcast_in_dim3A_9, %while3A_100 = %broadcast_in_dim3A_64) -> (vector<16xf32>, vector<16xi32>)  : i32 {
        %broadcast_in_dim3A_101 = vector.broadcast %while3A_98 : i32 to vector<16xi32>
        %add3A_102 = arith.addi %mul3A_42, %broadcast_in_dim3A_101 : vector<16xi32>
        %gather3A_103 = tpu.vector_load_idx %arg17[%add3A_102] : memref<4112xi32, #tpu.memory_space<vmem>>[vector<16xi32>], vector<16xi32>,
        %le3A_104 = arith.cmpi sle, %broadcast_in_dim3A_101, %parallel_loop3A_50#0 : vector<16xi32>
        %jit3A_105 = arith.constant 4096 : i32
        %broadcast_in_dim3A_106 = vector.broadcast %jit3A_105 : i32 to vector<16xi32>
        %select_n3A_107 = arith.select %le3A_104, %gather3A_103, %broadcast_in_dim3A_106 : vector<16xi1>, vector<16xi32>
        %gather3A_108 = tpu.vector_load_idx %arg16[%select_n3A_107] : memref<4112xf32, #tpu.memory_space<vmem>>[vector<16xi32>], vector<16xf32>,
        %masked_sort3A = arith.constant dense<true> : vector<16xi1>
        %masked_sort3A_109, %masked_sort3A_110, %masked_sort3A_111 = tpu.sort %gather3A_108, %select_n3A_107 masked %masked_sort3A : (vector<16xf32>, vector<16xi32>, vector<16xi1>) -> (vector<16xi1>, vector<16xf32>, vector<16xi32>)
        %rev3A = arith.constant 15 : i32
        %rev3A_112 = vector.broadcast %rev3A : i32 to vector<16xi32>
        %rev3A_113 = tpu.iota {dimensions = array<i32: 0>} : vector<16xi32>
        %rev3A_114 = arith.subi %rev3A_112, %rev3A_113 : vector<16xi32>
        %rev3A_115 = tpu.dynamic_gather %masked_sort3A_110[%rev3A_114] in [0] : vector<16xf32>, vector<16xi32> -> vector<16xf32>
        %rev3A_116 = arith.constant 15 : i32
        %rev3A_117 = vector.broadcast %rev3A_116 : i32 to vector<16xi32>
        %rev3A_118 = tpu.iota {dimensions = array<i32: 0>} : vector<16xi32>
        %rev3A_119 = arith.subi %rev3A_117, %rev3A_118 : vector<16xi32>
        %rev3A_120 = tpu.dynamic_gather %masked_sort3A_111[%rev3A_119] in [0] : vector<16xi32>, vector<16xi32> -> vector<16xi32>
        %le3A_121 = arith.cmpf ole, %while3A_99, %rev3A_115 : vector<16xf32>
        %select_n3A_122 = arith.select %le3A_121, %while3A_99, %rev3A_115 : vector<16xi1>, vector<16xf32>
        %select_n3A_123 = arith.select %le3A_121, %while3A_100, %rev3A_120 : vector<16xi1>, vector<16xi32>
        %masked_sort3A_124 = arith.constant dense<true> : vector<16xi1>
        %masked_sort3A_125, %masked_sort3A_126, %masked_sort3A_127 = tpu.sort %select_n3A_122, %select_n3A_123 masked %masked_sort3A_124 : (vector<16xf32>, vector<16xi32>, vector<16xi1>) -> (vector<16xi1>, vector<16xf32>, vector<16xi32>)
        scf.yield %masked_sort3A_126, %masked_sort3A_127 : vector<16xf32>, vector<16xi32>
      }
      %while3A_73 = arith.constant 1 : i32
      %while3A_74:2 = scf.for %while3A_98 = %while3A_70 to %while3A_66 step %while3A_73 iter_args(%while3A_99 = %while3A_72#0, %while3A_100 = %while3A_72#1) -> (vector<16xf32>, vector<16xi32>)  : i32 {
        %broadcast_in_dim3A_101 = vector.broadcast %while3A_98 : i32 to vector<16xi32>
        %add3A_102 = arith.addi %mul3A_42, %broadcast_in_dim3A_101 : vector<16xi32>
        %gather3A_103 = tpu.vector_load_idx %arg17[%add3A_102] : memref<4112xi32, #tpu.memory_space<vmem>>[vector<16xi32>], vector<16xi32>,
        %le3A_104 = arith.cmpi sle, %broadcast_in_dim3A_101, %parallel_loop3A_50#0 : vector<16xi32>
        %jit3A_105 = arith.constant 4096 : i32
        %broadcast_in_dim3A_106 = vector.broadcast %jit3A_105 : i32 to vector<16xi32>
        %select_n3A_107 = arith.select %le3A_104, %gather3A_103, %broadcast_in_dim3A_106 : vector<16xi1>, vector<16xi32>
        %gather3A_108 = tpu.vector_load_idx %arg16[%select_n3A_107] : memref<4112xf32, #tpu.memory_space<vmem>>[vector<16xi32>], vector<16xf32>,
        %masked_sort3A = arith.constant dense<true> : vector<16xi1>
        %masked_sort3A_109, %masked_sort3A_110, %masked_sort3A_111 = tpu.sort %gather3A_108, %select_n3A_107 masked %masked_sort3A : (vector<16xf32>, vector<16xi32>, vector<16xi1>) -> (vector<16xi1>, vector<16xf32>, vector<16xi32>)
        %rev3A = arith.constant 15 : i32
        %rev3A_112 = vector.broadcast %rev3A : i32 to vector<16xi32>
        %rev3A_113 = tpu.iota {dimensions = array<i32: 0>} : vector<16xi32>
        %rev3A_114 = arith.subi %rev3A_112, %rev3A_113 : vector<16xi32>
        %rev3A_115 = tpu.dynamic_gather %masked_sort3A_110[%rev3A_114] in [0] : vector<16xf32>, vector<16xi32> -> vector<16xf32>
        %rev3A_116 = arith.constant 15 : i32
        %rev3A_117 = vector.broadcast %rev3A_116 : i32 to vector<16xi32>
        %rev3A_118 = tpu.iota {dimensions = array<i32: 0>} : vector<16xi32>
        %rev3A_119 = arith.subi %rev3A_117, %rev3A_118 : vector<16xi32>
        %rev3A_120 = tpu.dynamic_gather %masked_sort3A_111[%rev3A_119] in [0] : vector<16xi32>, vector<16xi32> -> vector<16xi32>
        %le3A_121 = arith.cmpf ole, %while3A_99, %rev3A_115 : vector<16xf32>
        %select_n3A_122 = arith.select %le3A_121, %while3A_99, %rev3A_115 : vector<16xi1>, vector<16xf32>
        %select_n3A_123 = arith.select %le3A_121, %while3A_100, %rev3A_120 : vector<16xi1>, vector<16xi32>
        %masked_sort3A_124 = arith.constant dense<true> : vector<16xi1>
        %masked_sort3A_125, %masked_sort3A_126, %masked_sort3A_127 = tpu.sort %select_n3A_122, %select_n3A_123 masked %masked_sort3A_124 : (vector<16xf32>, vector<16xi32>, vector<16xi1>) -> (vector<16xi1>, vector<16xf32>, vector<16xi32>)
        scf.yield %masked_sort3A_126, %masked_sort3A_127 : vector<16xf32>, vector<16xi32>
      }
      %min3A = arith.constant 4095 : i32
      %min3A_75 = vector.broadcast %min3A : i32 to vector<16xi32>
      %min3A_76 = arith.minsi %while3A_74#1, %min3A_75 : vector<16xi32>
      %gather3A_77 = tpu.vector_load_idx %arg13[%broadcast_in_dim3A_26] : memref<4096xf32, #tpu.memory_space<vmem>>[vector<16xi32>], vector<16xf32>,
      %gather3A_78 = tpu.vector_load_idx %arg14[%broadcast_in_dim3A_26] : memref<4096xf32, #tpu.memory_space<vmem>>[vector<16xi32>], vector<16xf32>,
      %gather3A_79 = tpu.vector_load_idx %arg15[%broadcast_in_dim3A_26] : memref<4096xf32, #tpu.memory_space<vmem>>[vector<16xi32>], vector<16xf32>,
      %gather3A_80 = tpu.vector_load_idx %arg13[%min3A_76] : memref<4096xf32, #tpu.memory_space<vmem>>[vector<16xi32>], vector<16xf32>,
      %gather3A_81 = tpu.vector_load_idx %arg14[%min3A_76] : memref<4096xf32, #tpu.memory_space<vmem>>[vector<16xi32>], vector<16xf32>,
      %gather3A_82 = tpu.vector_load_idx %arg15[%min3A_76] : memref<4096xf32, #tpu.memory_space<vmem>>[vector<16xi32>], vector<16xf32>,
      %sub3A = arith.subf %gather3A_80, %gather3A_77 : vector<16xf32>
      %abs3A = math.absf %sub3A : vector<16xf32>
      %sub3A_83 = arith.subf %gather3A_81, %gather3A_78 : vector<16xf32>
      %abs3A_84 = math.absf %sub3A_83 : vector<16xf32>
      %add3A_85 = arith.addf %abs3A, %abs3A_84 : vector<16xf32>
      %sub3A_86 = arith.subf %gather3A_82, %gather3A_79 : vector<16xf32>
      %abs3A_87 = math.absf %sub3A_86 : vector<16xf32>
      %add3A_88 = arith.addf %add3A_85, %abs3A_87 : vector<16xf32>
      %jit3A = arith.constant 0.000000e+00 : f32
      %broadcast_in_dim3A_89 = vector.broadcast %jit3A : f32 to vector<16xf32>
      %select_n3A = arith.select %and3A, %add3A_88, %broadcast_in_dim3A_89 : vector<16xi1>, vector<16xf32>
      %mul3A_90 = arith.constant 16 : i32
      %mul3A_91 = arith.muli %scan3A_24, %mul3A_90 : i32
      %swap3A_92 = arith.index_cast %mul3A_91 : i32 to index
      %swap3A_93 = tpu.vector_load %arg20[%swap3A_92] {strides = array<i32>} : memref<1152xf32, #tpu.memory_space<vmem>>, vector<16xf32>,
      tpu.vector_store %arg20[%swap3A_92], %select_n3A {strides = array<i32>} : memref<1152xf32, #tpu.memory_space<vmem>>, vector<16xf32>,
      %mul3A_94 = arith.constant 16 : i32
      %mul3A_95 = arith.muli %scan3A_24, %mul3A_94 : i32
      %swap3A_96 = arith.index_cast %mul3A_95 : i32 to index
      %swap3A_97 = tpu.vector_load %arg19[%swap3A_96] {strides = array<i32>} : memref<1152xf32, #tpu.memory_space<vmem>>, vector<16xf32>,
      tpu.vector_store %arg19[%swap3A_96], %while3A_74#0 {strides = array<i32>} : memref<1152xf32, #tpu.memory_space<vmem>>, vector<16xf32>,
    }
    %scan3A_15 = arith.constant 72 : i32
    %mul3A_16 = arith.constant 72 : i32
    %mul3A_17 = arith.muli %add3A, %mul3A_16 : i32
    %mul3A_18 = arith.constant 16 : i32
    %mul3A_19 = arith.muli %mul3A_17, %mul3A_18 : i32
    "tpu.region"() ({
      %run_scoped3A = tpu.sem_alloc : memref<!tpu.dma_semaphore, #tpu.memory_space<semaphore_mem>>
      %dma_start3A = tpu.memref_slice %arg8[%mul3A_19] : memref<36864xf32, #tpu.memory_space<hbm>> -> memref<1152xf32, #tpu.memory_space<hbm>>
      %dma_start3A_24 = tpu.memref_slice %arg8[%mul3A_19] : memref<36864xf32, #tpu.memory_space<hbm>> -> memref<1152xf32, #tpu.memory_space<hbm>>
      tpu.enqueue_dma source(%arg19 : memref<1152xf32, #tpu.memory_space<vmem>>) target(%dma_start3A_24 : memref<1152xf32, #tpu.memory_space<hbm>>) target_semaphore(%run_scoped3A : memref<!tpu.dma_semaphore, #tpu.memory_space<semaphore_mem>>)
      %dma_wait3A = tpu.memref_slice %arg8[%mul3A_19] : memref<36864xf32, #tpu.memory_space<hbm>> -> memref<1152xf32, #tpu.memory_space<hbm>>
      %dma_wait3A_25 = tpu.memref_slice %arg8[%mul3A_19] : memref<36864xf32, #tpu.memory_space<hbm>> -> memref<1152xf32, #tpu.memory_space<hbm>>
      tpu.wait_dma2 semaphore(%run_scoped3A : memref<!tpu.dma_semaphore, #tpu.memory_space<semaphore_mem>>) src(%arg19 : memref<1152xf32, #tpu.memory_space<vmem>>) dst(%dma_wait3A_25 : memref<1152xf32, #tpu.memory_space<hbm>>)
      tpu.yield
    }) : () -> ()
    %mul3A_20 = arith.constant 72 : i32
    %mul3A_21 = arith.muli %add3A, %mul3A_20 : i32
    %mul3A_22 = arith.constant 16 : i32
    %mul3A_23 = arith.muli %mul3A_21, %mul3A_22 : i32
    "tpu.region"() ({
      %run_scoped3A = tpu.sem_alloc : memref<!tpu.dma_semaphore, #tpu.memory_space<semaphore_mem>>
      %dma_start3A = tpu.memref_slice %arg9[%mul3A_23] : memref<36864xf32, #tpu.memory_space<hbm>> -> memref<1152xf32, #tpu.memory_space<hbm>>
      %dma_start3A_24 = tpu.memref_slice %arg9[%mul3A_23] : memref<36864xf32, #tpu.memory_space<hbm>> -> memref<1152xf32, #tpu.memory_space<hbm>>
      tpu.enqueue_dma source(%arg20 : memref<1152xf32, #tpu.memory_space<vmem>>) target(%dma_start3A_24 : memref<1152xf32, #tpu.memory_space<hbm>>) target_semaphore(%run_scoped3A : memref<!tpu.dma_semaphore, #tpu.memory_space<semaphore_mem>>)
      %dma_wait3A = tpu.memref_slice %arg9[%mul3A_23] : memref<36864xf32, #tpu.memory_space<hbm>> -> memref<1152xf32, #tpu.memory_space<hbm>>
      %dma_wait3A_25 = tpu.memref_slice %arg9[%mul3A_23] : memref<36864xf32, #tpu.memory_space<hbm>> -> memref<1152xf32, #tpu.memory_space<hbm>>
      tpu.wait_dma2 semaphore(%run_scoped3A : memref<!tpu.dma_semaphore, #tpu.memory_space<semaphore_mem>>) src(%arg20 : memref<1152xf32, #tpu.memory_space<vmem>>) dst(%dma_wait3A_25 : memref<1152xf32, #tpu.memory_space<hbm>>)
      tpu.yield
    }) : () -> ()
    return
  }
}

module attributes {stable_mosaic.version = 14 : i64} {
  func.func @_tc_fin_body(%arg0: memref<288x128xf32, #tpu.memory_space<vmem>>, %arg1: memref<288x128xf32, #tpu.memory_space<vmem>>, %arg2: memref<1x1xf32, #tpu.memory_space<vmem>>, %arg3: memref<1x1xf32, #tpu.memory_space<vmem>>) attributes {dimension_semantics = [], scalar_prefetch = 0 : i64, scratch_operands = 0 : i64, tpu.core_type = #tpu.core_type<tc>} {
    %get3A = arith.constant 0 : index
    %get3A_0 = arith.constant 0 : index
    %get3A_1 = vector.load %arg0[%get3A, %get3A_0] : memref<288x128xf32, #tpu.memory_space<vmem>>, vector<288x128xf32>
    %iota3A = tpu.iota {dimensions = array<i32: 1>} : vector<288x128xi32>
    %jit3A = arith.constant 16 : i32
    %eq3A = arith.constant 0 : i32
    %eq3A_2 = arith.cmpi eq, %jit3A, %eq3A : i32
    %jit3A_3 = arith.constant 1 : i32
    %select_n3A = arith.select %eq3A_2, %jit3A_3, %jit3A : i32
    %rem3A = vector.broadcast %select_n3A : i32 to vector<288x128xi32>
    %rem3A_4 = arith.remsi %iota3A, %rem3A : vector<288x128xi32>
    %ne3A = arith.constant 0 : i32
    %ne3A_5 = vector.broadcast %ne3A : i32 to vector<288x128xi32>
    %ne3A_6 = arith.cmpi ne, %rem3A_4, %ne3A_5 : vector<288x128xi32>
    %lt3A = arith.constant 0 : i32
    %lt3A_7 = vector.broadcast %lt3A : i32 to vector<288x128xi32>
    %lt3A_8 = arith.cmpi slt, %rem3A_4, %lt3A_7 : vector<288x128xi32>
    %lt3A_9 = arith.constant 0 : i32
    %lt3A_10 = arith.cmpi slt, %select_n3A, %lt3A_9 : i32
    %ne3A_11 = vector.broadcast %lt3A_10 : i1 to vector<288x128xi1>
    %ne3A_12 = vector.broadcast %ne3A_11 : vector<288x128xi1> to vector<288x128xi1>
    %ne3A_13 = arith.xori %lt3A_8, %ne3A_12 : vector<288x128xi1>
    %and3A = arith.andi %ne3A_13, %ne3A_6 : vector<288x128xi1>
    %add3A = vector.broadcast %select_n3A : i32 to vector<288x128xi32>
    %add3A_14 = arith.addi %rem3A_4, %add3A : vector<288x128xi32>
    %select_n3A_15 = arith.select %and3A, %add3A_14, %rem3A_4 : vector<288x128xi1>, vector<288x128xi32>
    %max3A = arith.constant 9.99999996E-13 : f32
    %max3A_16 = vector.broadcast %max3A : f32 to vector<288x128xf32>
    %max3A_17 = arith.maximumf %get3A_1, %max3A_16 : vector<288x128xf32>
    %sqrt3A = math.sqrt %max3A_17 : vector<288x128xf32>
    %eq3A_18 = arith.constant 2 : i32
    %eq3A_19 = vector.broadcast %eq3A_18 : i32 to vector<288x128xi32>
    %eq3A_20 = arith.cmpi eq, %select_n3A_15, %eq3A_19 : vector<288x128xi32>
    %neg3A = arith.constant 0.000000e+00 : f32
    %neg3A_21 = vector.broadcast %neg3A : f32 to vector<288x128xf32>
    %neg3A_22 = arith.subf %neg3A_21, %sqrt3A : vector<288x128xf32>
    %exp3A = math.exp %neg3A_22 : vector<288x128xf32>
    %jit3A_23 = arith.constant 0.000000e+00 : f32
    %broadcast_in_dim3A = vector.broadcast %jit3A_23 : f32 to vector<288x128xf32>
    %select_n3A_24 = arith.select %eq3A_20, %exp3A, %broadcast_in_dim3A : vector<288x128xi1>, vector<288x128xf32>
    %reduce_sum3A = vector.shape_cast %select_n3A_24 : vector<288x128xf32> to vector<1x288x128xf32>
    %reduce_sum3A_25 = arith.constant dense<0.000000e+00> : vector<1xf32>
    %reduce_sum3A_26 = vector.multi_reduction <add>, %reduce_sum3A, %reduce_sum3A_25 [1, 2] : vector<1x288x128xf32> to vector<1xf32>
    %reduce_sum3A_27 = vector.shape_cast %reduce_sum3A_26 : vector<1xf32> to vector<1x1x1xf32>
    %reduce_sum3A_28 = vector.extract %reduce_sum3A_27[0, 0, 0] : f32 from vector<1x1x1xf32>
    %get3A_29 = arith.constant 0 : index
    %get3A_30 = arith.constant 0 : index
    %get3A_31 = vector.load %arg1[%get3A_29, %get3A_30] : memref<288x128xf32, #tpu.memory_space<vmem>>, vector<288x128xf32>
    %reduce_sum3A_32 = vector.shape_cast %get3A_31 : vector<288x128xf32> to vector<1x288x128xf32>
    %reduce_sum3A_33 = arith.constant dense<0.000000e+00> : vector<1xf32>
    %reduce_sum3A_34 = vector.multi_reduction <add>, %reduce_sum3A_32, %reduce_sum3A_33 [1, 2] : vector<1x288x128xf32> to vector<1xf32>
    %reduce_sum3A_35 = vector.shape_cast %reduce_sum3A_34 : vector<1xf32> to vector<1x1x1xf32>
    %reduce_sum3A_36 = vector.extract %reduce_sum3A_35[0, 0, 0] : f32 from vector<1x1x1xf32>
    %div3A = arith.constant 1.500000e+01 : f32
    %div3A_37 = arith.divf %reduce_sum3A_36, %div3A : f32
    %mul3A = arith.constant 1.000000e-01 : f32
    %mul3A_38 = arith.mulf %mul3A, %reduce_sum3A_28 : f32
    %mul3A_39 = arith.constant 1.000000e-01 : f32
    %mul3A_40 = arith.mulf %mul3A_39, %div3A_37 : f32
    %add3A_41 = arith.addf %mul3A_38, %mul3A_40 : f32
    %div3A_42 = arith.constant 4.096000e+03 : f32
    %div3A_43 = arith.divf %add3A_41, %div3A_42 : f32
    %get3A_44 = arith.constant 0 : index
    %get3A_45 = arith.constant 0 : index
    %get3A_46 = vector.load %arg2[%get3A_44, %get3A_45] : memref<1x1xf32, #tpu.memory_space<vmem>>, vector<1x1xf32>
    %reshape3A = vector.broadcast %div3A_43 : f32 to vector<1x1xf32>
    %add3A_47 = arith.addf %get3A_46, %reshape3A : vector<1x1xf32>
    %swap3A = arith.constant 0 : index
    %swap3A_48 = arith.constant 0 : index
    %swap3A_49 = vector.load %arg3[%swap3A, %swap3A_48] : memref<1x1xf32, #tpu.memory_space<vmem>>, vector<1x1xf32>
    tpu.vector_store %arg3[%swap3A, %swap3A_48], %add3A_47 {strides = array<i32>} : memref<1x1xf32, #tpu.memory_space<vmem>>, vector<1x1xf32>,
    return
  }
}

module attributes {stable_mosaic.version = 14 : i64} {
  func.func @_tc_knn_body(%arg0: i32, %arg1: memref<4096x3xf32, #tpu.memory_space<vmem>>, %arg2: memref<4096x3xf32, #tpu.memory_space<vmem>>, %arg3: memref<4096x3xf32, #tpu.memory_space<vmem>>, %arg4: memref<4096x4xf32, #tpu.memory_space<vmem>>, %arg5: memref<1x1xf32, #tpu.memory_space<vmem>>) attributes {dimension_semantics = [#tpu.dimension_semantics<arbitrary>], iteration_bounds = array<i64: 7>, scalar_prefetch = 0 : i64, scratch_operands = 0 : i64, tpu.core_type = #tpu.core_type<tc>, window_params = [{pipeline_mode = #tpu.pipeline_mode<synchronous>, transform_indices = @transform_0, window_bounds = array<i64: 4096, 3>}, {pipeline_mode = #tpu.pipeline_mode<synchronous>, transform_indices = @transform_1, window_bounds = array<i64: 4096, 3>}, {pipeline_mode = #tpu.pipeline_mode<synchronous>, transform_indices = @transform_2, window_bounds = array<i64: 4096, 3>}, {pipeline_mode = #tpu.pipeline_mode<synchronous>, transform_indices = @transform_3, window_bounds = array<i64: 4096, 4>}, {pipeline_mode = #tpu.pipeline_mode<synchronous>, transform_indices = @transform_4, window_bounds = array<i64: 1, 1>}]} {
    %mul3A = arith.constant 256 : i32
    %mul3A_0 = arith.muli %arg0, %mul3A : i32
    %get3A = arith.index_cast %mul3A_0 : i32 to index
    %get3A_1 = arith.constant 0 : index
    %get3A_2 = vector.load %arg1[%get3A, %get3A_1] : memref<4096x3xf32, #tpu.memory_space<vmem>>, vector<256x3xf32>
    %get3A_3 = arith.constant 0 : index
    %get3A_4 = arith.constant 0 : index
    %get3A_5 = vector.load %arg1[%get3A_3, %get3A_4] : memref<4096x3xf32, #tpu.memory_space<vmem>>, vector<4096x3xf32>
    %mul3A_6 = arith.mulf %get3A_2, %get3A_2 : vector<256x3xf32>
    %reduce_sum3A = arith.constant dense<0.000000e+00> : vector<256xf32>
    %reduce_sum3A_7 = vector.multi_reduction <add>, %mul3A_6, %reduce_sum3A [1] : vector<256x3xf32> to vector<256xf32>
    %broadcast_in_dim3A = vector.shape_cast %reduce_sum3A_7 : vector<256xf32> to vector<256x1xf32>
    %mul3A_8 = arith.mulf %get3A_5, %get3A_5 : vector<4096x3xf32>
    %reduce_sum3A_9 = arith.constant dense<0.000000e+00> : vector<4096xf32>
    %reduce_sum3A_10 = vector.multi_reduction <add>, %mul3A_8, %reduce_sum3A_9 [1] : vector<4096x3xf32> to vector<4096xf32>
    %broadcast_in_dim3A_11 = vector.shape_cast %reduce_sum3A_10 : vector<4096xf32> to vector<1x4096xf32>
    %dot_general3A = arith.constant dense<0.000000e+00> : vector<256x4096xf32>
    %dot_general3A_12 = tpu.matmul %get3A_2, %get3A_5, %dot_general3A {dimension_numbers = #tpu.dot_dimension_numbers<[1], [1], [0], [0], [0, 0, 1, 0], [], []>, transpose_lhs_hint = false} : vector<256x3xf32>, vector<4096x3xf32>, vector<256x4096xf32> -> vector<256x4096xf32>
    %add3A = vector.broadcast %broadcast_in_dim3A : vector<256x1xf32> to vector<256x4096xf32>
    %add3A_13 = vector.broadcast %broadcast_in_dim3A_11 : vector<1x4096xf32> to vector<256x4096xf32>
    %add3A_14 = arith.addf %add3A, %add3A_13 : vector<256x4096xf32>
    %mul3A_15 = arith.constant 2.000000e+00 : f32
    %mul3A_16 = vector.broadcast %mul3A_15 : f32 to vector<256x4096xf32>
    %mul3A_17 = arith.mulf %mul3A_16, %dot_general3A_12 : vector<256x4096xf32>
    %sub3A = arith.subf %add3A_14, %mul3A_17 : vector<256x4096xf32>
    %max3A = arith.constant 9.99999996E-13 : f32
    %max3A_18 = vector.broadcast %max3A : f32 to vector<256x4096xf32>
    %max3A_19 = arith.maximumf %sub3A, %max3A_18 : vector<256x4096xf32>
    %sqrt3A = math.sqrt %max3A_19 : vector<256x4096xf32>
    %iota3A = tpu.iota {dimensions = array<i32: 1>} : vector<256x4096xi32>
    %mul3A_20 = arith.constant 256 : i32
    %mul3A_21 = arith.muli %arg0, %mul3A_20 : i32
    %iota3A_22 = tpu.iota {dimensions = array<i32: 0>} : vector<256x4096xi32>
    %add3A_23 = vector.broadcast %mul3A_21 : i32 to vector<256x4096xi32>
    %add3A_24 = arith.addi %add3A_23, %iota3A_22 : vector<256x4096xi32>
    %eq3A = arith.cmpi eq, %iota3A, %add3A_24 : vector<256x4096xi32>
    %jit3A = arith.constant 0x7F800000 : f32
    %broadcast_in_dim3A_25 = vector.broadcast %jit3A : f32 to vector<256x4096xf32>
    %select_n3A = arith.select %eq3A, %broadcast_in_dim3A_25, %sqrt3A : vector<256x4096xi1>, vector<256x4096xf32>
    %mul3A_26 = arith.constant 256 : i32
    %mul3A_27 = arith.muli %arg0, %mul3A_26 : i32
    %get3A_28 = arith.index_cast %mul3A_27 : i32 to index
    %get3A_29 = arith.constant 0 : index
    %get3A_30 = vector.load %arg2[%get3A_28, %get3A_29] : memref<4096x3xf32, #tpu.memory_space<vmem>>, vector<256x3xf32>
    %get3A_31 = arith.constant 0 : index
    %get3A_32 = arith.constant 0 : index
    %get3A_33 = vector.load %arg2[%get3A_31, %get3A_32] : memref<4096x3xf32, #tpu.memory_space<vmem>>, vector<4096x3xf32>
    %broadcast_in_dim3A_34 = arith.constant 0.000000e+00 : f32
    %broadcast_in_dim3A_35 = vector.broadcast %broadcast_in_dim3A_34 : f32 to vector<256xf32>
    %reduce_min3A = arith.constant dense<0x7F800000> : vector<256xf32>
    %reduce_min3A_36 = vector.multi_reduction <minimumf>, %select_n3A, %reduce_min3A [1] : vector<256x4096xf32> to vector<256xf32>
    %broadcast_in_dim3A_37 = vector.shape_cast %reduce_min3A_36 : vector<256xf32> to vector<256x1xf32>
    %eq3A_38 = vector.broadcast %broadcast_in_dim3A_37 : vector<256x1xf32> to vector<256x4096xf32>
    %eq3A_39 = arith.cmpf oeq, %select_n3A, %eq3A_38 : vector<256x4096xf32>
    %jit3A_40 = arith.constant 4096 : i32
    %broadcast_in_dim3A_41 = vector.broadcast %jit3A_40 : i32 to vector<256x4096xi32>
    %select_n3A_42 = arith.select %eq3A_39, %iota3A, %broadcast_in_dim3A_41 : vector<256x4096xi1>, vector<256x4096xi32>
    %reduce_min3A_43 = arith.constant dense<2147483647> : vector<256xi32>
    %reduce_min3A_44 = vector.multi_reduction <minsi>, %select_n3A_42, %reduce_min3A_43 [1] : vector<256x4096xi32> to vector<256xi32>
    %broadcast_in_dim3A_45 = vector.shape_cast %reduce_min3A_44 : vector<256xi32> to vector<256x1xi32>
    %eq3A_46 = vector.broadcast %broadcast_in_dim3A_45 : vector<256x1xi32> to vector<256x4096xi32>
    %eq3A_47 = arith.cmpi eq, %iota3A, %eq3A_46 : vector<256x4096xi32>
    %convert_element_type3A = arith.extui %eq3A_47 : vector<256x4096xi1> to vector<256x4096xi32>
    %convert_element_type3A_48 = arith.sitofp %convert_element_type3A : vector<256x4096xi32> to vector<256x4096xf32>
    %dot_general3A_49 = arith.constant dense<0.000000e+00> : vector<256x3xf32>
    %dot_general3A_50 = tpu.matmul %convert_element_type3A_48, %get3A_33, %dot_general3A_49 {dimension_numbers = #tpu.dot_dimension_numbers<[1], [0], [0], [1], [0, 0, 1, 1], [], []>, transpose_lhs_hint = false} : vector<256x4096xf32>, vector<4096x3xf32>, vector<256x3xf32> -> vector<256x3xf32>
    %sub3A_51 = arith.subf %get3A_30, %dot_general3A_50 : vector<256x3xf32>
    %abs3A = math.absf %sub3A_51 : vector<256x3xf32>
    %reduce_sum3A_52 = arith.constant dense<0.000000e+00> : vector<256xf32>
    %reduce_sum3A_53 = vector.multi_reduction <add>, %abs3A, %reduce_sum3A_52 [1] : vector<256x3xf32> to vector<256xf32>
    %add3A_54 = arith.addf %broadcast_in_dim3A_35, %reduce_sum3A_53 : vector<256xf32>
    %jit3A_55 = arith.constant 0x7F800000 : f32
    %broadcast_in_dim3A_56 = vector.broadcast %jit3A_55 : f32 to vector<256x4096xf32>
    %select_n3A_57 = arith.select %eq3A_47, %broadcast_in_dim3A_56, %select_n3A : vector<256x4096xi1>, vector<256x4096xf32>
    %reduce_min3A_58 = arith.constant dense<0x7F800000> : vector<256xf32>
    %reduce_min3A_59 = vector.multi_reduction <minimumf>, %select_n3A_57, %reduce_min3A_58 [1] : vector<256x4096xf32> to vector<256xf32>
    %broadcast_in_dim3A_60 = vector.shape_cast %reduce_min3A_59 : vector<256xf32> to vector<256x1xf32>
    %eq3A_61 = vector.broadcast %broadcast_in_dim3A_60 : vector<256x1xf32> to vector<256x4096xf32>
    %eq3A_62 = arith.cmpf oeq, %select_n3A_57, %eq3A_61 : vector<256x4096xf32>
    %jit3A_63 = arith.constant 4096 : i32
    %broadcast_in_dim3A_64 = vector.broadcast %jit3A_63 : i32 to vector<256x4096xi32>
    %select_n3A_65 = arith.select %eq3A_62, %iota3A, %broadcast_in_dim3A_64 : vector<256x4096xi1>, vector<256x4096xi32>
    %reduce_min3A_66 = arith.constant dense<2147483647> : vector<256xi32>
    %reduce_min3A_67 = vector.multi_reduction <minsi>, %select_n3A_65, %reduce_min3A_66 [1] : vector<256x4096xi32> to vector<256xi32>
    %broadcast_in_dim3A_68 = vector.shape_cast %reduce_min3A_67 : vector<256xi32> to vector<256x1xi32>
    %eq3A_69 = vector.broadcast %broadcast_in_dim3A_68 : vector<256x1xi32> to vector<256x4096xi32>
    %eq3A_70 = arith.cmpi eq, %iota3A, %eq3A_69 : vector<256x4096xi32>
    %convert_element_type3A_71 = arith.extui %eq3A_70 : vector<256x4096xi1> to vector<256x4096xi32>
    %convert_element_type3A_72 = arith.sitofp %convert_element_type3A_71 : vector<256x4096xi32> to vector<256x4096xf32>
    %dot_general3A_73 = arith.constant dense<0.000000e+00> : vector<256x3xf32>
    %dot_general3A_74 = tpu.matmul %convert_element_type3A_72, %get3A_33, %dot_general3A_73 {dimension_numbers = #tpu.dot_dimension_numbers<[1], [0], [0], [1], [0, 0, 1, 1], [], []>, transpose_lhs_hint = false} : vector<256x4096xf32>, vector<4096x3xf32>, vector<256x3xf32> -> vector<256x3xf32>
    %sub3A_75 = arith.subf %get3A_30, %dot_general3A_74 : vector<256x3xf32>
    %abs3A_76 = math.absf %sub3A_75 : vector<256x3xf32>
    %reduce_sum3A_77 = arith.constant dense<0.000000e+00> : vector<256xf32>
    %reduce_sum3A_78 = vector.multi_reduction <add>, %abs3A_76, %reduce_sum3A_77 [1] : vector<256x3xf32> to vector<256xf32>
    %add3A_79 = arith.addf %add3A_54, %reduce_sum3A_78 : vector<256xf32>
    %jit3A_80 = arith.constant 0x7F800000 : f32
    %broadcast_in_dim3A_81 = vector.broadcast %jit3A_80 : f32 to vector<256x4096xf32>
    %select_n3A_82 = arith.select %eq3A_70, %broadcast_in_dim3A_81, %select_n3A_57 : vector<256x4096xi1>, vector<256x4096xf32>
    %reduce_min3A_83 = arith.constant dense<0x7F800000> : vector<256xf32>
    %reduce_min3A_84 = vector.multi_reduction <minimumf>, %select_n3A_82, %reduce_min3A_83 [1] : vector<256x4096xf32> to vector<256xf32>
    %broadcast_in_dim3A_85 = vector.shape_cast %reduce_min3A_84 : vector<256xf32> to vector<256x1xf32>
    %eq3A_86 = vector.broadcast %broadcast_in_dim3A_85 : vector<256x1xf32> to vector<256x4096xf32>
    %eq3A_87 = arith.cmpf oeq, %select_n3A_82, %eq3A_86 : vector<256x4096xf32>
    %jit3A_88 = arith.constant 4096 : i32
    %broadcast_in_dim3A_89 = vector.broadcast %jit3A_88 : i32 to vector<256x4096xi32>
    %select_n3A_90 = arith.select %eq3A_87, %iota3A, %broadcast_in_dim3A_89 : vector<256x4096xi1>, vector<256x4096xi32>
    %reduce_min3A_91 = arith.constant dense<2147483647> : vector<256xi32>
    %reduce_min3A_92 = vector.multi_reduction <minsi>, %select_n3A_90, %reduce_min3A_91 [1] : vector<256x4096xi32> to vector<256xi32>
    %broadcast_in_dim3A_93 = vector.shape_cast %reduce_min3A_92 : vector<256xi32> to vector<256x1xi32>
    %eq3A_94 = vector.broadcast %broadcast_in_dim3A_93 : vector<256x1xi32> to vector<256x4096xi32>
    %eq3A_95 = arith.cmpi eq, %iota3A, %eq3A_94 : vector<256x4096xi32>
    %convert_element_type3A_96 = arith.extui %eq3A_95 : vector<256x4096xi1> to vector<256x4096xi32>
    %convert_element_type3A_97 = arith.sitofp %convert_element_type3A_96 : vector<256x4096xi32> to vector<256x4096xf32>
    %dot_general3A_98 = arith.constant dense<0.000000e+00> : vector<256x3xf32>
    %dot_general3A_99 = tpu.matmul %convert_element_type3A_97, %get3A_33, %dot_general3A_98 {dimension_numbers = #tpu.dot_dimension_numbers<[1], [0], [0], [1], [0, 0, 1, 1], [], []>, transpose_lhs_hint = false} : vector<256x4096xf32>, vector<4096x3xf32>, vector<256x3xf32> -> vector<256x3xf32>
    %sub3A_100 = arith.subf %get3A_30, %dot_general3A_99 : vector<256x3xf32>
    %abs3A_101 = math.absf %sub3A_100 : vector<256x3xf32>
    %reduce_sum3A_102 = arith.constant dense<0.000000e+00> : vector<256xf32>
    %reduce_sum3A_103 = vector.multi_reduction <add>, %abs3A_101, %reduce_sum3A_102 [1] : vector<256x3xf32> to vector<256xf32>
    %add3A_104 = arith.addf %add3A_79, %reduce_sum3A_103 : vector<256xf32>
    %jit3A_105 = arith.constant 0x7F800000 : f32
    %broadcast_in_dim3A_106 = vector.broadcast %jit3A_105 : f32 to vector<256x4096xf32>
    %select_n3A_107 = arith.select %eq3A_95, %broadcast_in_dim3A_106, %select_n3A_82 : vector<256x4096xi1>, vector<256x4096xf32>
    %reduce_min3A_108 = arith.constant dense<0x7F800000> : vector<256xf32>
    %reduce_min3A_109 = vector.multi_reduction <minimumf>, %select_n3A_107, %reduce_min3A_108 [1] : vector<256x4096xf32> to vector<256xf32>
    %broadcast_in_dim3A_110 = vector.shape_cast %reduce_min3A_109 : vector<256xf32> to vector<256x1xf32>
    %eq3A_111 = vector.broadcast %broadcast_in_dim3A_110 : vector<256x1xf32> to vector<256x4096xf32>
    %eq3A_112 = arith.cmpf oeq, %select_n3A_107, %eq3A_111 : vector<256x4096xf32>
    %jit3A_113 = arith.constant 4096 : i32
    %broadcast_in_dim3A_114 = vector.broadcast %jit3A_113 : i32 to vector<256x4096xi32>
    %select_n3A_115 = arith.select %eq3A_112, %iota3A, %broadcast_in_dim3A_114 : vector<256x4096xi1>, vector<256x4096xi32>
    %reduce_min3A_116 = arith.constant dense<2147483647> : vector<256xi32>
    %reduce_min3A_117 = vector.multi_reduction <minsi>, %select_n3A_115, %reduce_min3A_116 [1] : vector<256x4096xi32> to vector<256xi32>
    %broadcast_in_dim3A_118 = vector.shape_cast %reduce_min3A_117 : vector<256xi32> to vector<256x1xi32>
    %eq3A_119 = vector.broadcast %broadcast_in_dim3A_118 : vector<256x1xi32> to vector<256x4096xi32>
    %eq3A_120 = arith.cmpi eq, %iota3A, %eq3A_119 : vector<256x4096xi32>
    %convert_element_type3A_121 = arith.extui %eq3A_120 : vector<256x4096xi1> to vector<256x4096xi32>
    %convert_element_type3A_122 = arith.sitofp %convert_element_type3A_121 : vector<256x4096xi32> to vector<256x4096xf32>
    %dot_general3A_123 = arith.constant dense<0.000000e+00> : vector<256x3xf32>
    %dot_general3A_124 = tpu.matmul %convert_element_type3A_122, %get3A_33, %dot_general3A_123 {dimension_numbers = #tpu.dot_dimension_numbers<[1], [0], [0], [1], [0, 0, 1, 1], [], []>, transpose_lhs_hint = false} : vector<256x4096xf32>, vector<4096x3xf32>, vector<256x3xf32> -> vector<256x3xf32>
    %sub3A_125 = arith.subf %get3A_30, %dot_general3A_124 : vector<256x3xf32>
    %abs3A_126 = math.absf %sub3A_125 : vector<256x3xf32>
    %reduce_sum3A_127 = arith.constant dense<0.000000e+00> : vector<256xf32>
    %reduce_sum3A_128 = vector.multi_reduction <add>, %abs3A_126, %reduce_sum3A_127 [1] : vector<256x3xf32> to vector<256xf32>
    %add3A_129 = arith.addf %add3A_104, %reduce_sum3A_128 : vector<256xf32>
    %jit3A_130 = arith.constant 0x7F800000 : f32
    %broadcast_in_dim3A_131 = vector.broadcast %jit3A_130 : f32 to vector<256x4096xf32>
    %select_n3A_132 = arith.select %eq3A_120, %broadcast_in_dim3A_131, %select_n3A_107 : vector<256x4096xi1>, vector<256x4096xf32>
    %reduce_min3A_133 = arith.constant dense<0x7F800000> : vector<256xf32>
    %reduce_min3A_134 = vector.multi_reduction <minimumf>, %select_n3A_132, %reduce_min3A_133 [1] : vector<256x4096xf32> to vector<256xf32>
    %broadcast_in_dim3A_135 = vector.shape_cast %reduce_min3A_134 : vector<256xf32> to vector<256x1xf32>
    %eq3A_136 = vector.broadcast %broadcast_in_dim3A_135 : vector<256x1xf32> to vector<256x4096xf32>
    %eq3A_137 = arith.cmpf oeq, %select_n3A_132, %eq3A_136 : vector<256x4096xf32>
    %jit3A_138 = arith.constant 4096 : i32
    %broadcast_in_dim3A_139 = vector.broadcast %jit3A_138 : i32 to vector<256x4096xi32>
    %select_n3A_140 = arith.select %eq3A_137, %iota3A, %broadcast_in_dim3A_139 : vector<256x4096xi1>, vector<256x4096xi32>
    %reduce_min3A_141 = arith.constant dense<2147483647> : vector<256xi32>
    %reduce_min3A_142 = vector.multi_reduction <minsi>, %select_n3A_140, %reduce_min3A_141 [1] : vector<256x4096xi32> to vector<256xi32>
    %broadcast_in_dim3A_143 = vector.shape_cast %reduce_min3A_142 : vector<256xi32> to vector<256x1xi32>
    %eq3A_144 = vector.broadcast %broadcast_in_dim3A_143 : vector<256x1xi32> to vector<256x4096xi32>
    %eq3A_145 = arith.cmpi eq, %iota3A, %eq3A_144 : vector<256x4096xi32>
    %convert_element_type3A_146 = arith.extui %eq3A_145 : vector<256x4096xi1> to vector<256x4096xi32>
    %convert_element_type3A_147 = arith.sitofp %convert_element_type3A_146 : vector<256x4096xi32> to vector<256x4096xf32>
    %dot_general3A_148 = arith.constant dense<0.000000e+00> : vector<256x3xf32>
    %dot_general3A_149 = tpu.matmul %convert_element_type3A_147, %get3A_33, %dot_general3A_148 {dimension_numbers = #tpu.dot_dimension_numbers<[1], [0], [0], [1], [0, 0, 1, 1], [], []>, transpose_lhs_hint = false} : vector<256x4096xf32>, vector<4096x3xf32>, vector<256x3xf32> -> vector<256x3xf32>
    %sub3A_150 = arith.subf %get3A_30, %dot_general3A_149 : vector<256x3xf32>
    %abs3A_151 = math.absf %sub3A_150 : vector<256x3xf32>
    %reduce_sum3A_152 = arith.constant dense<0.000000e+00> : vector<256xf32>
    %reduce_sum3A_153 = vector.multi_reduction <add>, %abs3A_151, %reduce_sum3A_152 [1] : vector<256x3xf32> to vector<256xf32>
    %add3A_154 = arith.addf %add3A_129, %reduce_sum3A_153 : vector<256xf32>
    %neg3A = arith.constant 0.000000e+00 : f32
    %neg3A_155 = vector.broadcast %neg3A : f32 to vector<256xf32>
    %neg3A_156 = arith.subf %neg3A_155, %reduce_min3A_59 : vector<256xf32>
    %exp3A = math.exp %neg3A_156 : vector<256xf32>
    %reduce_sum3A_157 = vector.shape_cast %exp3A : vector<256xf32> to vector<1x256xf32>
    %reduce_sum3A_158 = arith.constant dense<0.000000e+00> : vector<1xf32>
    %reduce_sum3A_159 = vector.multi_reduction <add>, %reduce_sum3A_157, %reduce_sum3A_158 [1] : vector<1x256xf32> to vector<1xf32>
    %reduce_sum3A_160 = vector.shape_cast %reduce_sum3A_159 : vector<1xf32> to vector<1x1xf32>
    %reduce_sum3A_161 = vector.extract %reduce_sum3A_160[0, 0] : f32 from vector<1x1xf32>
    %mul3A_162 = arith.constant 1.000000e-01 : f32
    %mul3A_163 = arith.mulf %mul3A_162, %reduce_sum3A_161 : f32
    %reduce_sum3A_164 = vector.shape_cast %add3A_154 : vector<256xf32> to vector<1x256xf32>
    %reduce_sum3A_165 = arith.constant dense<0.000000e+00> : vector<1xf32>
    %reduce_sum3A_166 = vector.multi_reduction <add>, %reduce_sum3A_164, %reduce_sum3A_165 [1] : vector<1x256xf32> to vector<1xf32>
    %reduce_sum3A_167 = vector.shape_cast %reduce_sum3A_166 : vector<1xf32> to vector<1x1xf32>
    %reduce_sum3A_168 = vector.extract %reduce_sum3A_167[0, 0] : f32 from vector<1x1xf32>
    %mul3A_169 = arith.constant 1.000000e-01 : f32
    %mul3A_170 = arith.mulf %mul3A_169, %reduce_sum3A_168 : f32
    %div3A = arith.constant 1.500000e+01 : f32
    %div3A_171 = arith.divf %mul3A_170, %div3A : f32
    %add3A_172 = arith.addf %mul3A_163, %div3A_171 : f32
    %div3A_173 = arith.constant 4.096000e+03 : f32
    %div3A_174 = arith.divf %add3A_172, %div3A_173 : f32
    %eq3A_175 = arith.constant 0 : i32
    %eq3A_176 = arith.cmpi eq, %arg0, %eq3A_175 : i32
    %convert_element_type3A_177 = arith.extui %eq3A_176 : i1 to i32
    %cond3A = arith.constant 0 : i32
    %cond3A_178 = arith.cmpi ne, %convert_element_type3A_177, %cond3A : i32
    scf.if %cond3A_178 {
      %get3A_185 = arith.constant 0 : index
      %get3A_186 = arith.constant 0 : index
      %get3A_187 = vector.load %arg3[%get3A_185, %get3A_186] : memref<4096x3xf32, #tpu.memory_space<vmem>>, vector<4096x3xf32>
      %sub3A_188 = arith.constant 1.000000e+00 : f32
      %sub3A_189 = vector.broadcast %sub3A_188 : f32 to vector<4096x3xf32>
      %sub3A_190 = arith.subf %get3A_187, %sub3A_189 : vector<4096x3xf32>
      %abs3A_191 = math.absf %sub3A_190 : vector<4096x3xf32>
      %reduce_sum3A_192 = vector.shape_cast %abs3A_191 : vector<4096x3xf32> to vector<1x4096x3xf32>
      %reduce_sum3A_193 = arith.constant dense<0.000000e+00> : vector<1xf32>
      %reduce_sum3A_194 = vector.multi_reduction <add>, %reduce_sum3A_192, %reduce_sum3A_193 [1, 2] : vector<1x4096x3xf32> to vector<1xf32>
      %reduce_sum3A_195 = vector.shape_cast %reduce_sum3A_194 : vector<1xf32> to vector<1x1x1xf32>
      %reduce_sum3A_196 = vector.extract %reduce_sum3A_195[0, 0, 0] : f32 from vector<1x1x1xf32>
      %div3A_197 = arith.constant 3.000000e+00 : f32
      %div3A_198 = arith.divf %reduce_sum3A_196, %div3A_197 : f32
      %reduce_sum3A_199 = arith.constant dense<0.000000e+00> : vector<4096xf32>
      %reduce_sum3A_200 = vector.multi_reduction <add>, %get3A_187, %reduce_sum3A_199 [1] : vector<4096x3xf32> to vector<4096xf32>
      %broadcast_in_dim3A_201 = vector.shape_cast %reduce_sum3A_200 : vector<4096xf32> to vector<4096x1xf32>
      %div3A_202 = arith.constant 3.000000e+00 : f32
      %div3A_203 = vector.broadcast %div3A_202 : f32 to vector<4096x1xf32>
      %div3A_204 = arith.divf %broadcast_in_dim3A_201, %div3A_203 : vector<4096x1xf32>
      %sub3A_205 = vector.broadcast %div3A_204 : vector<4096x1xf32> to vector<4096x3xf32>
      %sub3A_206 = arith.subf %get3A_187, %sub3A_205 : vector<4096x3xf32>
      %integer_pow3A = arith.mulf %sub3A_206, %sub3A_206 : vector<4096x3xf32>
      %reduce_sum3A_207 = vector.shape_cast %integer_pow3A : vector<4096x3xf32> to vector<1x4096x3xf32>
      %reduce_sum3A_208 = arith.constant dense<0.000000e+00> : vector<1xf32>
      %reduce_sum3A_209 = vector.multi_reduction <add>, %reduce_sum3A_207, %reduce_sum3A_208 [1, 2] : vector<1x4096x3xf32> to vector<1xf32>
      %reduce_sum3A_210 = vector.shape_cast %reduce_sum3A_209 : vector<1xf32> to vector<1x1x1xf32>
      %reduce_sum3A_211 = vector.extract %reduce_sum3A_210[0, 0, 0] : f32 from vector<1x1x1xf32>
      %div3A_212 = arith.constant 2.000000e+00 : f32
      %div3A_213 = arith.divf %reduce_sum3A_211, %div3A_212 : f32
      %get3A_214 = arith.constant 0 : index
      %get3A_215 = arith.constant 0 : index
      %get3A_216 = vector.load %arg4[%get3A_214, %get3A_215] : memref<4096x4xf32, #tpu.memory_space<vmem>>, vector<4096x4xf32>
      %mul3A_217 = arith.mulf %get3A_216, %get3A_216 : vector<4096x4xf32>
      %reduce_sum3A_218 = arith.constant dense<0.000000e+00> : vector<4096xf32>
      %reduce_sum3A_219 = vector.multi_reduction <add>, %mul3A_217, %reduce_sum3A_218 [1] : vector<4096x4xf32> to vector<4096xf32>
      %sqrt3A_220 = math.sqrt %reduce_sum3A_219 : vector<4096xf32>
      %sub3A_221 = arith.constant 1.000000e+00 : f32
      %sub3A_222 = vector.broadcast %sub3A_221 : f32 to vector<4096xf32>
      %sub3A_223 = arith.subf %sqrt3A_220, %sub3A_222 : vector<4096xf32>
      %integer_pow3A_224 = arith.mulf %sub3A_223, %sub3A_223 : vector<4096xf32>
      %reduce_sum3A_225 = vector.shape_cast %integer_pow3A_224 : vector<4096xf32> to vector<1x4096xf32>
      %reduce_sum3A_226 = arith.constant dense<0.000000e+00> : vector<1xf32>
      %reduce_sum3A_227 = vector.multi_reduction <add>, %reduce_sum3A_225, %reduce_sum3A_226 [1] : vector<1x4096xf32> to vector<1xf32>
      %reduce_sum3A_228 = vector.shape_cast %reduce_sum3A_227 : vector<1xf32> to vector<1x1xf32>
      %reduce_sum3A_229 = vector.extract %reduce_sum3A_228[0, 0] : f32 from vector<1x1xf32>
      %get3A_230 = arith.constant 0 : index
      %get3A_231 = arith.constant 0 : index
      %get3A_232 = vector.load %arg2[%get3A_230, %get3A_231] : memref<4096x3xf32, #tpu.memory_space<vmem>>, vector<4096x3xf32>
      %sub3A_233 = arith.constant 5.000000e-01 : f32
      %sub3A_234 = vector.broadcast %sub3A_233 : f32 to vector<4096x3xf32>
      %sub3A_235 = arith.subf %get3A_232, %sub3A_234 : vector<4096x3xf32>
      %integer_pow3A_236 = arith.mulf %sub3A_235, %sub3A_235 : vector<4096x3xf32>
      %reduce_sum3A_237 = vector.shape_cast %integer_pow3A_236 : vector<4096x3xf32> to vector<1x4096x3xf32>
      %reduce_sum3A_238 = arith.constant dense<0.000000e+00> : vector<1xf32>
      %reduce_sum3A_239 = vector.multi_reduction <add>, %reduce_sum3A_237, %reduce_sum3A_238 [1, 2] : vector<1x4096x3xf32> to vector<1xf32>
      %reduce_sum3A_240 = vector.shape_cast %reduce_sum3A_239 : vector<1xf32> to vector<1x1x1xf32>
      %reduce_sum3A_241 = vector.extract %reduce_sum3A_240[0, 0, 0] : f32 from vector<1x1x1xf32>
      %div3A_242 = arith.constant 3.000000e+00 : f32
      %div3A_243 = arith.divf %reduce_sum3A_241, %div3A_242 : f32
      %add3A_244 = arith.addf %div3A_198, %div3A_213 : f32
      %mul3A_245 = arith.constant 1.000000e-01 : f32
      %mul3A_246 = arith.mulf %mul3A_245, %add3A_244 : f32
      %mul3A_247 = arith.constant 1.000000e-01 : f32
      %mul3A_248 = arith.mulf %mul3A_247, %reduce_sum3A_229 : f32
      %add3A_249 = arith.addf %mul3A_246, %mul3A_248 : f32
      %mul3A_250 = arith.constant 1.000000e-01 : f32
      %mul3A_251 = arith.mulf %mul3A_250, %div3A_243 : f32
      %add3A_252 = arith.addf %add3A_249, %mul3A_251 : f32
      %div3A_253 = arith.constant 4.096000e+03 : f32
      %div3A_254 = arith.divf %add3A_252, %div3A_253 : f32
      %reshape3A_255 = vector.broadcast %div3A_254 : f32 to vector<1x1xf32>
      %swap3A_256 = arith.constant 0 : index
      %swap3A_257 = arith.constant 0 : index
      %swap3A_258 = vector.load %arg5[%swap3A_256, %swap3A_257] : memref<1x1xf32, #tpu.memory_space<vmem>>, vector<1x1xf32>
      tpu.vector_store %arg5[%swap3A_256, %swap3A_257], %reshape3A_255 {strides = array<i32>} : memref<1x1xf32, #tpu.memory_space<vmem>>, vector<1x1xf32>,
    } else {
    }
    %get3A_179 = arith.constant 0 : index
    %get3A_180 = arith.constant 0 : index
    %get3A_181 = vector.load %arg5[%get3A_179, %get3A_180] : memref<1x1xf32, #tpu.memory_space<vmem>>, vector<1x1xf32>
    %reshape3A = vector.broadcast %div3A_174 : f32 to vector<1x1xf32>
    %add3A_182 = arith.addf %get3A_181, %reshape3A : vector<1x1xf32>
    %swap3A = arith.constant 0 : index
    %swap3A_183 = arith.constant 0 : index
    %swap3A_184 = vector.load %arg5[%swap3A, %swap3A_183] : memref<1x1xf32, #tpu.memory_space<vmem>>, vector<1x1xf32>
    tpu.vector_store %arg5[%swap3A, %swap3A_183], %add3A_182 {strides = array<i32>} : memref<1x1xf32, #tpu.memory_space<vmem>>, vector<1x1xf32>,
    return
  }
  func.func @transform_0(%arg0: i32) -> (i32, i32) {
    %c0_i32 = arith.constant 0 : i32
    %c0_i32_0 = arith.constant 0 : i32
    %c0_i32_1 = arith.constant 0 : i32
    return %c0_i32, %c0_i32_0 : i32, i32
  }
  func.func @transform_1(%arg0: i32) -> (i32, i32) {
    %c0_i32 = arith.constant 0 : i32
    %c0_i32_0 = arith.constant 0 : i32
    %c0_i32_1 = arith.constant 0 : i32
    return %c0_i32, %c0_i32_0 : i32, i32
  }
  func.func @transform_2(%arg0: i32) -> (i32, i32) {
    %c0_i32 = arith.constant 0 : i32
    %c0_i32_0 = arith.constant 0 : i32
    %c0_i32_1 = arith.constant 0 : i32
    return %c0_i32, %c0_i32_0 : i32, i32
  }
  func.func @transform_3(%arg0: i32) -> (i32, i32) {
    %c0_i32 = arith.constant 0 : i32
    %c0_i32_0 = arith.constant 0 : i32
    %c0_i32_1 = arith.constant 0 : i32
    return %c0_i32, %c0_i32_0 : i32, i32
  }
  func.func @transform_4(%arg0: i32) -> (i32, i32) {
    %c0_i32 = arith.constant 0 : i32
    %c0_i32_0 = arith.constant 0 : i32
    %c0_i32_1 = arith.constant 0 : i32
    return %c0_i32, %c0_i32_0 : i32, i32
  }
}

</mosaic_0001>

<sc_bundles>
// kernel: kernel.5.cloned.1.call-start
scs
__scs_entry_jumppad:
0x0: {  	(pc) =	sbr.rel $0x88, $3  }
0x1: {  	(tag) =	ssettag $0x0;
	lr =	simm.s32 $0x1  }
0x2: {  	[smem:$0x3F9D] =	sst lr;
	_ =	strace $0xD0000000  }
0x3: {  	_ = 	snop  }
0x4: {  	_ = 	snop  }
0x5: {  	_ = 	snop  }
0x6: {  	_ = 	snop  }
0x7: {  	_ = 	snop  }
__scs_overlays_trampoline_lowered:
0x8: {  	[smem:$0x3FAC] =	sst s0  }
0x9: {  	[smem:$0x3FAD] =	sst s1  }
0xa: {  	[smem:$0x3FAE] =	sst s2  }
0xb: {  	[smem:$0x3FAF] =	sst s3  }
0xc: {  	[smem:$0x3FB0] =	sst s4  }
0xd: {  	[smem:$0x3FB1] =	sst s5  }
0xe: {  	[smem:$0x3FB2] =	sst s6  }
0xf: {  	[smem:$0x3FB3] =	sst s7  }
0x10: {  	[smem:$0x3FB4] =	sst s8  }
0x11: {  	[smem:$0x3FB5] =	sst s9;
	s0 =	simm.s32 @!p0 $0x0  }
0x12: {  	s1 =	sld [smem:$0x3F9B];
	s0 =	simm.s32 @p0 $0x1  }
0x13: {  	[smem:$0x3FB6] =	sst s0;
	s0 =	simm.s32 @!p1 $0x0  }
0x14: {  	s2 =	sld [smem:$0x3F9A];
	s0 =	simm.s32 @p1 $0x1  }
0x15: {  	[smem:$0x3FB7] =	sst s0;
	s0 =	simm.s32 @!p2 $0x0  }
0x16: {  	s3 =	sld [smem:$0x3FDB];
	s0 =	simm.s32 @p2 $0x1  }
0x17: {  	s4 =	simm.s32 $0x1BF5;
	[smem:$0x3FB9] =	sst s0  }
0x18: {  	s0 =	sld [smem:$0x3F9C];
	_ =	swait.ge [sflag:s4], $0x0  }
0x19: {  	s7 =	sld [smem:$0x3F9D]  }
0x1a: {  	s8 =	sadd.s32 $0xFFFFE003, lr  }
0x1b: {  	s9 =	sadd.s32 $0xFFFFFEF7, lr;
	s5 =	simm.s32 $0xFFFFFFFF;
	p2 =	slt.u32 s8, $0xFFFFF086  }
0x1c: {  	p1 =	slt.u32 s9, $0xF7A;
	s5 =	simm.s32 @!p2 $0x0  }
0x1d: {  	s5 =	simm.s32 @p1 $0x1;
	p0 =	seq.s32 s7, s2  }
0x1e: {  	s7 =	smul.u32 @!p0 $0xF7A, s2;
	p2 =	seq.s32 @!p0 s5, $0x0  }
0x1f: {  	s9 =	smul.u32 $0xF7A, s1;
	s8 =	simm.s32 @!p0 $0x1BF5;
	p2 =	por !p2, p0  }
0x20: {  	[sflag:s8] =	ssyncset.s32 @!p0 $0xFFFFF086;
	s6 =	sadd.s32 @!p0 s3, s7;
	s7 =	simm.s32 @!p0 $0x108  }
0x21: {  	s3 =	sadd.s32 s3, s9;
	s6 =	sadd.s32 @!p0 $0x88, s6;
	s7 =	simm.s32 @p2 $0x1082  }
0x22: {  	[simem:s7], [sflag:s8] =	dma.local @!p0 [hbm:s6], $0xF7A  }
0x23: {  	s9 =	sor.u32 $0xD0000000, s2;
	s6 =	simm.s32 $0x108;
	_ =	swait.ge @!p0 [sflag:s8], $0x0  }
0x24: {  	s3 =	sadd.s32 $0x88, s3;
	s6 =	simm.s32 @!p1 $0x1082;
	[sflag:s4] =	ssyncset.s32 $0xFFFFF086  }
0x25: {  	[simem:s6], [sflag:s4] =	dma.local [hbm:s3], $0xF7A  }
0x26: {  	[smem:$0x3F9D] =	sst s1;
	(tag) =	ssettag s2;
	_ =	strace s9  }
0x27: {  	s1 =	sld [smem:$0x3FAD]  }
0x28: {  	s2 =	sld [smem:$0x3FAE]  }
0x29: {  	s4 =	sld [smem:$0x3FB0]  }
0x2a: {  	p0 =	seq.s32 s5, $0x0;
	s5 =	sld [smem:$0x3FB1]  }
0x2b: {  	s6 =	sld [smem:$0x3FB2]  }
0x2c: {  	s7 =	sld [smem:$0x3FB3]  }
0x2d: {  	s3 =	simm.s32 $0x108;
	s8 =	sld [smem:$0x3FB4]  }
0x2e: {  	s3 =	simm.s32 @!p0 $0x1082;
	s9 =	sld [smem:$0x3FB5]  }
0x2f: {  	lr =	sadd.s32 s0, s3;
	s0 =	sld [smem:$0x3FAC]  }
0x30: {  	s3 =	sld [smem:$0x3FAF]  }
0x31: {  	[smem:$0x3FB8] =	sst s10  }
0x32: {  	s10 =	sld [smem:$0x3FB6];
	_ =	sdelay $0x3  }
0x33: {  	p0 =	seq.s32 s10, $0x1;
	s10 =	sld [smem:$0x3FB8];
	_ =	sdelay $0x3  }
0x34: {  	[smem:$0x3FB8] =	sst s10  }
0x35: {  	s10 =	sld [smem:$0x3FB7];
	_ =	sdelay $0x3  }
0x36: {  	p1 =	seq.s32 s10, $0x1;
	s10 =	sld [smem:$0x3FB8];
	_ =	sdelay $0x3  }
0x37: {  	[smem:$0x3FB8] =	sst s10  }
0x38: {  	s10 =	sld [smem:$0x3FB9]  }
0x39: {  	_ = 	snop;
	(pc) =	sbr.ind lr, $3  }
0x3a: {  	_ = 	snop  }
0x3b: {  	_ = 	snop  }
0x3c: {  	p2 =	seq.s32 s10, $0x1;
	s10 =	sld [smem:$0x3FB8]  }
0x3d: {  	_ =	shalt  }
0x3e: {  	_ =	shalt  }
0x3f: {  	_ =	shalt  }
0x40: {  	_ =	shalt  }
0x41: {  	_ =	shalt  }
0x42: {  	_ =	shalt  }
0x43: {  	_ =	shalt  }
0x44: {  	_ =	shalt  }
0x45: {  	_ =	shalt  }
0x46: {  	_ =	shalt  }
0x47: {  	_ =	shalt  }
0x48: {  	_ =	shalt  }
0x49: {  	_ =	shalt  }
0x4a: {  	_ =	shalt  }
0x4b: {  	_ =	shalt  }
0x4c: {  	_ =	shalt  }
0x4d: {  	_ =	shalt  }
0x4e: {  	_ =	shalt  }
0x4f: {  	_ =	shalt  }
0x50: {  	_ =	shalt  }
0x51: {  	_ =	shalt  }
0x52: {  	_ =	shalt  }
0x53: {  	_ =	shalt  }
0x54: {  	_ =	shalt  }
0x55: {  	_ =	shalt  }
0x56: {  	_ =	shalt  }
0x57: {  	_ =	shalt  }
0x58: {  	_ =	shalt  }
0x59: {  	_ =	shalt  }
0x5a: {  	_ =	shalt  }
0x5b: {  	_ =	shalt  }
0x5c: {  	_ =	shalt  }
0x5d: {  	_ =	shalt  }
0x5e: {  	_ =	shalt  }
0x5f: {  	_ =	shalt  }
0x60: {  	_ =	shalt  }
0x61: {  	_ =	shalt  }
0x62: {  	_ =	shalt  }
0x63: {  	_ =	shalt  }
0x64: {  	_ =	shalt  }
0x65: {  	_ =	shalt  }
0x66: {  	_ =	shalt  }
0x67: {  	_ =	shalt  }
0x68: {  	_ =	shalt  }
0x69: {  	_ =	shalt  }
0x6a: {  	_ =	shalt  }
0x6b: {  	_ =	shalt  }
0x6c: {  	_ =	shalt  }
0x6d: {  	_ =	shalt  }
0x6e: {  	_ =	shalt  }
0x6f: {  	_ =	shalt  }
0x70: {  	_ =	shalt  }
0x71: {  	_ =	shalt  }
0x72: {  	_ =	shalt  }
0x73: {  	_ =	shalt  }
0x74: {  	_ =	shalt  }
0x75: {  	_ =	shalt  }
0x76: {  	_ =	shalt  }
0x77: {  	_ =	shalt  }
0x78: {  	_ =	shalt  }
0x79: {  	_ =	shalt  }
0x7a: {  	_ =	shalt  }
0x7b: {  	_ =	shalt  }
0x7c: {  	_ =	shalt  }
0x7d: {  	_ =	shalt  }
0x7e: {  	_ =	shalt  }
0x7f: {  	_ =	shalt  }
0x80: {  	_ =	shalt  }
0x81: {  	_ =	shalt  }
0x82: {  	_ =	shalt  }
0x83: {  	_ =	shalt  }
0x84: {  	_ =	shalt  }
0x85: {  	_ =	shalt  }
0x86: {  	_ =	shalt  }
0x87: {  	_ =	shalt  }
.Lfunc_end0:
.L_simem_size_0:
called_computation_lowered:
.L_overlay_start_0:
0x88: {  	s2 =	sld [smem:$0x3FD9]  }
0x89: {  	s3 =	sld [smem:$0x3FFE];
	_ =	sdelay $0x1  }
0x8a: {  	s1 =	srdreg.scid  }
0x8b: {  	s0 =	sand.u32 $0x1, s1  }
0x8c: {  	s16 =	sshll.u32 s0, $0xA;
	s2 =	sadd.s32 s3, s2  }
0x8d: {  	s2 =	sadd.s32 s2, s16  }
0x8e: {  	[smem:$0x3FC4] =	sst s2  }
0x8f: {  	_ = 	snop  }
0x90: {  	(tm) =	ssettm $0x1  }
0x91: {  	s17 =	sld [smem:$0x3FFB];
	_ =	sdelay $0x3  }
0x92: {  	_ =	strace s17  }
0x93: {  	s2 =	sld [smem:$0x3FFC];
	_ =	sdelay $0x3  }
0x94: {  	_ =	strace s2  }
0x95: {  	s2 =	sld [smem:$0x3FFD];
	_ =	sdelay $0x3  }
0x96: {  	_ =	strace s2  }
0x97: {  	_ =	strace $0x8FFFFFFF  }
0x98: {  	s18 =	sld [smem:$0x3FDB];
	_ =	sdelay $0x1  }
0x99: {  	s19 =	simm.s32 $_scs_section_size  }
0x9a: {  	s4 =	simm.s32 $_size__tile_overlayer_lowered;
	s5 =	simm.s32 $_tile_overlayer_lowered  }
0x9b: {  	s22 =	simm.s32 $0x1BFF;
	s21 =	sshll.u32 s5, $0x1;
	s2 =	sadd.s32 s19, s18  }
0x9c: {  	s6 =	simm.s32 $0x0;
	s20 =	sshll.u32 s4, $0x1;
	s4 =	sadd.s32 s21, s2  }
0x9d: {  	[timem:s6], [sflag:s22] =	dma.local [hbm:s4], s20  }
0x9e: {  	_ =	swait.ge [sflag:s22], s20  }
0x9f: {  	s3 =	ssub.s32 $0x0, s20;
	[sflag:s22] =	ssyncset.done $0x0  }
0xa0: {  	[sflag:s22] =	ssyncadd.s32 s3;
	_ =	sdelay $0x1  }
0xa1: {  	s23 =	simm.s32 $0x1B8B  }
0xa2: {  	_ =	swait.ge [sflag:s23], $0x1  }
0xa3: {  	[sflag:s23] =	ssyncset.done $0x0  }
0xa4: {  	s25 =	simm.s32 $0x1B8E;
	s24 =	sld [smem:$0x3FFE];
	[sflag:s23] =	ssyncadd.s32 $0xFFFFFFFF  }
0xa5: {  	s26 =	simm.s32 $execute0_lowered;
	[smem:$0x3FD2] =	sst s25  }
0xa6: {  	s4 =	sshll.u32 s26, $0x1;
	_ =	strace $0x80000046;
	[dreg:$0x1] =	wrdreg $0xFFFFFFFF  }
0xa7: {  	s28 =	simm.s32 $_size_execute0_lowered;
	s2 =	sadd.s32 s2, s4;
	[dreg:$0x0] =	wrdreg $0x0  }
0xa8: {  	s4 =	sshll.u32 s28, $0x1;
	[dreg:$0x2] =	wrdreg s2  }
0xa9: {  	[dreg:$0x3] =	wrdreg s4  }
0xaa: {  	[dreg:$0x4] =	wrdreg $0xC0  }
0xab: {  	_ =	task [dreg:s6], $0x5FFFF  }
0xac: {  	[dreg:$0x1] =	wrdreg $0xFFFFFFFF  }
0xad: {  	[dreg:$0x0] =	wrdreg $0x60  }
0xae: {  	[dreg:$0x2] =	wrdreg s24  }
0xaf: {  	[dreg:$0x3] =	wrdreg $0x9  }
0xb0: {  	_ =	task.clear_ibuf [dreg:s6], $0x4FFFF;
	_ =	strace $0x90000046  }
0xb1: {  	s29 =	simm.s32 $0x9;
	_ =	strace $0x80000048  }
0xb2: {  	_ =	swait.ge [sflag:s29], $0x1  }
0xb3: {  	[sflag:s29] =	ssyncadd.s32 $0xFFFFFFFF  }
0xb4: {  	_ =	strace $0x90000048  }
0xb5: {  	_ =	sfence  }
0xb6: {  	s30 =	sld [smem:$0x0];
	_ =	sdelay $0x2  }
0xb7: {  	s31 =	sshll.u32 s1, $0xD;
	s1 =	sshrl.u32 s1, $0x2  }
0xb8: {  	s3 =	sand.u32 $0x4000, s31;
	s1 =	sadd.s32 s1, s30  }
0xb9: {  	s0 =	sor.u32 s3, s0;
	s1 =	sshll.u32 s1, $0x11  }
0xba: {  	s0 =	sor.u32 s1, s0  }
0xbb: {  	s0 =	sadd.s32 $0x8F2B, s0  }
0xbc: {  	[sflag:s0] =	ssyncadd.remote.s32 $0x1  }
0xbd: {  	_ =	sfence.sel $0xFFFF  }
0xbe: {  	[dreg:$0x0] =	wrdreg $0xFFFFFFFF;
	(pc) =	sbr.abs _section_cstart, $3  }
0xbf: {  	[dreg:$0x1] =	wrdreg $0xFFFFFFFF  }
0xc0: {  	_ =	task.clear_ibuf [dreg:s6], $0x2FFFF;
	_ =	strace $0x9FFFFFFF  }
0xc1: {  	(tm) =	ssettm $0x7FFFFFFF  }
tec
execute0_lowered:
.L_overlay_start_1:
0x0: {  	(tag) =	ssettag $0x1  }
0x1: {  	s0 =	rddreg [dreg:$0x0];
	s2 =	simm.s32 $0x0;
	s1 =	srdreg.scid  }
0x2: {  	s3 =	stileid.u32;
	s13 =	simm.s32 $0x1000;
	s14 =	simm.s32 $0x2000  }
0x3: {  	s15 =	simm.s32 $0x3000;
	s16 =	simm.s32 $0x4000;
	s17 =	simm.s32 $0x5000  }
0x4: {  	s18 =	simm.s32 $0x1;
	s19 =	simm.s32 $0x8100;
	s20 =	simm.s32 $0x7080  }
0x5: {  	s21 =	simm.s32 $0x6000;
	s22 =	simm.s32 $0x8180;
	s23 =	simm.s32 $0x2  }
0x6: {  	s24 =	simm.s32 $0x8600;
	s1 =	sand.u32 $0x1, s1;
	s5 =	sshll.u32 s3, $0x1  }
0x7: {  	s25 =	simm.s32 $0x0;
	[smem:$0x7FF] =	sst s2;
	s8 =	sor.u32 s1, s5  }
0x8: {  	s3 =	sadd.s32 $0x1A00, s0;
	s4 =	sadd.s32 $0x1800, s0;
	s9 =	smul.u32 $0x90, s8  }
.Ltmp0:
0x9: {  	s6 =	sadd.s32 $0x2000, s0;
	s7 =	sadd.s32 $0x1E00, s0;
	(pc) =	sbr.rel .LBB2_1-.Ltmp0, $4  }
0xa: {  	v2 =	vlaneseq.u32;
	_ =	strace $0x80000047;
	s1 =	ssub.s32 $0x2, s1;
	s10 =	smul.u32 $0x48, s8  }
0xb: {  	v0 =	vimm.f32 $3.000000010e+38;
	v5 =	vmul.u32 $0xFFFFFFFF, v2;
	s5 =	sadd.s32 $0x1600, s0;
	s8 =	sadd.s32 $0x1C00, s0;
	s31 =	sshrl.u32 s1, $0x1  }
0xc: {  	v1 =	vimm.s32 $0x5;
	v3 =	vimm.s32 $0x0;
	v2 =	vmul.u32 $0x101, v2;
	s1 =	ssub.s32 s1, s31;
	s0 =	sadd.s32 s9, s0;
	s9 =	sadd.s32 $0x700, s10  }
0xd: {  	v4 =	vimm.s32 $0x1000;
	vm0 =	vcmask $0x318;
	v5 =	vadd.s32 $0xF, v5;
	s12 =	smax.u32 s1, $0x1;
	s10 =	sadd.s32 $0x2200, s0;
	s11 =	sadd.s32 $0x3400, s0  }
.LBB2_16:
0xe: {  	[hbm4b:s10+s2] =	stream.linear.scatter [tilespmem:s22], [sflag:$0x2], $0x480, $0x38;
	[tilespmem:$0x8A80] =	vst v63  }
0xf: {  	s25 =	sadd.s32 $0x1, s25;
	_ =	swait.ge [sflag:s23], $0x480  }
0x10: {  	p0 =	sne.s32 s25, s12;
	[sflag:s23] =	ssyncset.done $0x0  }
.Ltmp1:
0x11: {  	[sflag:s23] =	ssyncadd.s32 $0xFFFFFB80;
	(pc) =	sbr.rel @!p0 .LBB2_17-.Ltmp1, $4  }
0x12: {  	[hbm4b:s11+s2] =	stream.linear.scatter [tilespmem:s24], [sflag:$0x2], $0x480, $0x38;
	[tilespmem:$0x8A80] =	vst v63  }
0x13: {  	_ =	swait.ge [sflag:s23], $0x480  }
0x14: {  	[sflag:s23] =	ssyncset.done $0x0  }
0x15: {  	[sflag:s23] =	ssyncadd.s32 $0xFFFFFB80  }
.LBB2_1:
0x16: {  	[tilespmem:s2], [sflag:$0x1] =	stream.linear.gather [hbm4b:s3+s2], $0x1000, $0x38;
	[tilespmem:$0x8A80] =	vst v63  }
0x17: {  	_ = 	snop  }
0x18: {  	[tilespmem:s13], [sflag:$0x1] =	stream.linear.gather [hbm4b:s4+s2], $0x1000, $0x38;
	[tilespmem:$0x8A80] =	vst v63  }
0x19: {  	_ = 	snop  }
0x1a: {  	[tilespmem:s14], [sflag:$0x1] =	stream.linear.gather [hbm4b:s5+s2], $0x1000, $0x38;
	[tilespmem:$0x8A80] =	vst v63  }
0x1b: {  	_ = 	snop  }
0x1c: {  	[tilespmem:s15], [sflag:$0x1] =	stream.linear.gather [hbm4b:s6+s2], $0x1000, $0x38;
	[tilespmem:$0x8A80] =	vst v63  }
0x1d: {  	_ = 	snop  }
0x1e: {  	[tilespmem:s16], [sflag:$0x1] =	stream.linear.gather [hbm4b:s7+s2], $0x1000, $0x38;
	[tilespmem:$0x8A80] =	vst v63  }
0x1f: {  	_ = 	snop  }
0x20: {  	[tilespmem:s17], [sflag:$0x1] =	stream.linear.gather [hbm4b:s8+s2], $0x1000, $0x38;
	[tilespmem:$0x8A80] =	vst v63  }
0x21: {  	_ =	swait.ge [sflag:s18], $0x1000  }
0x22: {  	[sflag:s18] =	ssyncset.done $0x0  }
0x23: {  	[sflag:s18] =	ssyncadd.s32 $0xFFFFF000  }
0x24: {  	_ =	swait.ge [sflag:s18], $0x1000  }
0x25: {  	[sflag:s18] =	ssyncset.done $0x0  }
0x26: {  	[sflag:s18] =	ssyncadd.s32 $0xFFFFF000  }
0x27: {  	_ =	swait.ge [sflag:s18], $0x1000  }
0x28: {  	[sflag:s18] =	ssyncset.done $0x0  }
0x29: {  	[sflag:s18] =	ssyncadd.s32 $0xFFFFF000  }
0x2a: {  	_ =	swait.ge [sflag:s18], $0x1000  }
0x2b: {  	[sflag:s18] =	ssyncset.done $0x0  }
0x2c: {  	[sflag:s18] =	ssyncadd.s32 $0xFFFFF000  }
0x2d: {  	_ =	swait.ge [sflag:s18], $0x1000  }
0x2e: {  	[sflag:s18] =	ssyncset.done $0x0  }
.Ltmp2:
0x2f: {  	[sflag:s18] =	ssyncadd.s32 $0xFFFFF000;
	(pc) =	sbr.rel .LBB2_2-.Ltmp2, $4  }
0x30: {  	_ =	swait.ge [sflag:s18], $0x1000  }
0x31: {  	[sflag:s18] =	ssyncset.done $0x0  }
0x32: {  	[sflag:s18] =	ssyncadd.s32 $0xFFFFF000  }
0x33: {  	s26 =	simm.s32 $0x0;
	[tilespmem:$0x7000] =	vst v0  }
.LBB2_7:
0x34: {  	v8 =	vimm.s32 $0x0;
	v7 =	vimm.f32 $3.000000010e+38  }
.LBB2_15:
0x35: {  	_ =	sdelay $0x3  }
0x36: {  	v9 =	vld.idx.msk [tilespmem:v6+s15+$0x0], $0xffff  }
0x37: {  	v10 =	vld.idx.msk [tilespmem:v6+s16+$0x0], $0xffff  }
0x38: {  	v11 =	vld.idx.msk [tilespmem:v8+s15+$0x0], $0xffff  }
0x39: {  	v12 =	vld.idx.msk [tilespmem:v8+s16+$0x0], $0xffff  }
0x3a: {  	v6 =	vld.idx.msk [tilespmem:v6+s17+$0x0], $0xffff  }
0x3b: {  	v62 =	vld.idx.msk [tilespmem:v8+s17+$0x0], $0xffff;
	_ =	sdelay $0x2  }
0x3c: {  	v9 =	vsub.f32 v11, v9;
	v10 =	vsub.f32 v12, v10;
	_ =	sdelay $0x1  }
0x3d: {  	s0 =	sshll.u32 s26, $0x4;
	s26 =	sadd.s32 $0x1, s26;
	v6 =	vsub.f32 v62, v6;
	v9 =	vand.u32 $0x7FFFFFFF, v9;
	v10 =	vand.u32 $0x7FFFFFFF, v10  }
0x3e: {  	p0 =	sne.s32 s26, $0x48;
	v63 =	vadd.f32 v10, v9  }
.Ltmp3:
0x3f: {  	v6 =	vand.u32 $0x7FFFFFFF, v6;
	(pc) =	sbr.rel @!p0 .LBB2_16-.Ltmp3, $3  }
0x40: {  	v6 =	vadd.f32 v6, v63;
	_ =	sdelay $0x1  }
0x41: {  	[tilespmem:s0+$0x8180] =	vst v7;
	v6 =	vsel vm0, $0x0, v6  }
0x42: {  	[tilespmem:s0+$0x8600] =	vst v6  }
.LBB2_2:
0x43: {  	s1 =	simm.s32 $0x1040  }
0x44: {  	s28 =	simm.s32 $0x2040;
	v10 =	vld [tilespmem:s1+$0xFFFFFFE0]  }
0x45: {  	s30 =	simm.s32 $0x40;
	v11 =	vld [tilespmem:s28+$0x30]  }
0x46: {  	v13 =	vld [tilespmem:s30+$0x30]  }
0x47: {  	s0 =	sadd.s32 s26, s9;
	v14 =	vld [tilespmem:s28+$0xFFFFFFF0]  }
0x48: {  	v6 =	vmov s0;
	v15 =	vld [tilespmem:s1+$0x30]  }
0x49: {  	v17 =	vld [tilespmem:s30+$0x0]  }
0x4a: {  	v18 =	vld [tilespmem:s28+$0xFFFFFFE0]  }
0x4b: {  	v16 =	vld [tilespmem:s1+$0x0]  }
0x4c: {  	v19 =	vld [tilespmem:s1+$0xFFFFFFF0]  }
0x4d: {  	v8 =	vld.idx.msk [tilespmem:v6+s2+$0x0], $0xffff  }
0x4e: {  	v9 =	vld.idx.msk [tilespmem:v6+s13+$0x0], $0xffff  }
0x4f: {  	v7 =	vld.idx.msk [tilespmem:v6+s14+$0x0], $0xffff  }
0x50: {  	v20 =	vld [tilespmem:s28+$0xFFFFFFC0]  }
0x51: {  	v22 =	vld [tilespmem:s30+$0xFFFFFFC0]  }
0x52: {  	v12 =	vld [tilespmem:s30+$0xFFFFFFD0]  }
0x53: {  	v27 =	vld [tilespmem:s1+$0xFFFFFFC0];
	v10 =	vsub.f32 v10, v9;
	v21 =	vsub.f32 v13, v8  }
0x54: {  	v30 =	vld [tilespmem:s1+$0x20];
	v11 =	vsub.f32 v11, v7;
	v15 =	vsub.f32 v15, v9  }
0x55: {  	v24 =	vld [tilespmem:s30+$0xFFFFFFF0];
	v16 =	vsub.f32 v16, v9;
	v19 =	vsub.f32 v19, v9  }
0x56: {  	v23 =	vld [tilespmem:s1+$0xFFFFFFD0];
	v18 =	vsub.f32 v18, v7;
	v28 =	vsub.f32 v14, v7  }
0x57: {  	v25 =	vld [tilespmem:s30+$0xFFFFFFE0];
	v13 =	vimm.f32 $3.000000010e+38;
	v14 =	vsub.f32 v17, v8;
	v33 =	vsub.f32 v20, v7  }
0x58: {  	v32 =	vld [tilespmem:s1+$0x10];
	v29 =	vsub.f32 v27, v9;
	v26 =	vmul.f32 v21, v21;
	v15 =	vmul.f32 v15, v15  }
0x59: {  	v27 =	vld [tilespmem:s30+$0x20];
	v20 =	vsub.f32 v30, v9;
	v10 =	vmul.f32 v10, v10;
	v11 =	vmul.f32 v11, v11  }
0x5a: {  	v21 =	vld [tilespmem:s28+$0x0];
	v17 =	vadd.f32 v15, v26;
	v15 =	vmul.f32 v18, v18;
	v18 =	vsub.f32 v24, v8  }
0x5b: {  	v31 =	vmul.f32 v19, v19;
	v19 =	vld [tilespmem:s30+$0x10];
	v14 =	vmul.f32 v14, v14;
	v26 =	vsub.f32 v22, v8  }
0x5c: {  	v23 =	vsub.f32 v23, v9;
	v24 =	vmul.f32 v28, v28;
	v22 =	vld [tilespmem:s28+$0x10];
	v18 =	vmul.f32 v18, v18  }
0x5d: {  	s29 =	simm.s32 $0x6040;
	v28 =	vsub.f32 v25, v8;
	v25 =	vmul.f32 v26, v26;
	v26 =	vld [tilespmem:s28+$0xFFFFFFD0];
	v11 =	vadd.f32 v11, v17  }
0x5e: {  	s31 =	simm.s32 $0x0;
	s0 =	simm.s32 $0x10C0;
	s1 =	simm.s32 $0x60C0;
	v17 =	vmul.f32 v33, v33;
	v30 =	vadd.f32 v31, v18;
	v31 =	vsub.f32 v32, v9;
	v18 =	vld [tilespmem:s28+$0x20]  }
.LBB2_3:
0x5f: {  	v32 =	vld [tilespmem:s0+$0xFFFFFFE0];
	s31 =	sadd.s32 $0x80, s31;
	v29 =	vmul.f32 v29, v29;
	v21 =	vsub.f32 v21, v7;
	v16 =	vmul.f32 v16, v16;
	s30 =	sadd.s32 $0x80, s30;
	s28 =	sadd.s32 $0x80, s28  }
0x60: {  	v28 =	vmul.f32 v28, v28;
	v33 =	vld [tilespmem:s28+$0x30];
	p0 =	slt.u32 s31, $0xF80;
	v31 =	vmul.f32 v31, v31;
	v27 =	vsub.f32 v27, v8  }
0x61: {  	v19 =	vsub.f32 v19, v8;
	v24 =	vadd.f32 v24, v30;
	v34 =	vld [tilespmem:s30+$0x30];
	v21 =	vmul.f32 v21, v21  }
0x62: {  	v25 =	vadd.f32 v29, v25;
	v22 =	vsub.f32 v22, v7;
	v30 =	vld [tilespmem:s28+$0xFFFFFFF0];
	v27 =	vmul.f32 v27, v27  }
0x63: {  	v12 =	vsub.f32 v12, v8;
	v20 =	vmul.f32 v20, v20;
	v26 =	vsub.f32 v26, v7;
	v29 =	vld [tilespmem:s0+$0x30];
	[tilespmem:s29+$0xFFFFFFF0] =	vst v24  }
0x64: {  	v23 =	vmul.f32 v23, v23;
	v28 =	vadd.f32 v10, v28;
	v32 =	vsub.f32 v32, v9;
	v35 =	vld [tilespmem:s30+$0x0]  }
0x65: {  	v12 =	vmul.f32 v12, v12;
	v22 =	vmul.f32 v22, v22;
	v36 =	vld [tilespmem:s28+$0xFFFFFFE0];
	v33 =	vsub.f32 v33, v7  }
0x66: {  	v26 =	vmul.f32 v26, v26;
	v20 =	vadd.f32 v20, v27;
	v37 =	vld [tilespmem:s0+$0x0];
	v34 =	vsub.f32 v34, v8  }
0x67: {  	v12 =	vadd.f32 v23, v12;
	v15 =	vadd.f32 v15, v28;
	v10 =	vmul.f32 v32, v32;
	v27 =	vld [tilespmem:s0+$0xFFFFFFF0]  }
0x68: {  	v19 =	vmul.f32 v19, v19;
	v17 =	vadd.f32 v17, v25;
	v18 =	vsub.f32 v18, v7;
	v23 =	vld [tilespmem:s28+$0xFFFFFFC0]  }
0x69: {  	v26 =	vadd.f32 v26, v12;
	v28 =	vsub.f32 v29, v9;
	v29 =	vmul.f32 v34, v34;
	v25 =	vld [tilespmem:s30+$0xFFFFFFC0];
	[tilespmem:s29+$0xFFFFFFE0] =	vst v15  }
0x6a: {  	v14 =	vadd.f32 v16, v14;
	v13 =	vmin.f32 v13, v17;
	v32 =	vmul.f32 v33, v33;
	v12 =	vld [tilespmem:s30+$0xFFFFFFD0];
	[tilespmem:s29+$0xFFFFFFC0] =	vst v17  }
0x6b: {  	v19 =	vadd.f32 v31, v19;
	v18 =	vmul.f32 v18, v18;
	v13 =	vmin.f32 v13, v26;
	v17 =	vld [tilespmem:s0+$0xFFFFFFD0];
	[tilespmem:s29+$0xFFFFFFD0] =	vst v26  }
0x6c: {  	v14 =	vadd.f32 v21, v14;
	v13 =	vmin.f32 v13, v15;
	v16 =	vsub.f32 v37, v9;
	v26 =	vld [tilespmem:s30+$0xFFFFFFF0]  }
0x6d: {  	v13 =	vmin.f32 v13, v24;
	v15 =	vsub.f32 v27, v9;
	v27 =	vmul.f32 v28, v28;
	v31 =	vld [tilespmem:s30+$0xFFFFFFE0];
	[tilespmem:s29+$0x30] =	vst v11  }
0x6e: {  	v13 =	vmin.f32 v13, v14;
	v28 =	vsub.f32 v36, v7;
	v24 =	vld [tilespmem:s0+$0xFFFFFFC0];
	[tilespmem:s29+$0x0] =	vst v14;
	v14 =	vadd.f32 v22, v19  }
0x6f: {  	v18 =	vadd.f32 v18, v20;
	v22 =	vsub.f32 v30, v7;
	v30 =	vmul.f32 v15, v15;
	v33 =	vld [tilespmem:s0+$0x20]  }
0x70: {  	v19 =	vsub.f32 v35, v8;
	v34 =	vadd.f32 v27, v29;
	v21 =	vld [tilespmem:s28+$0x0];
	v13 =	vmin.f32 v13, v14  }
0x71: {  	v25 =	vsub.f32 v25, v8;
	v15 =	vmul.f32 v28, v28;
	v20 =	vsub.f32 v26, v8;
	v35 =	vld [tilespmem:s0+$0x10];
	[tilespmem:s29+$0x10] =	vst v14  }
.Ltmp4:
0x72: {  	v36 =	vsub.f32 v23, v7;
	v14 =	vmul.f32 v19, v19;
	v13 =	vmin.f32 v13, v18;
	v19 =	vld [tilespmem:s30+$0x10];
	[tilespmem:s29+$0x20] =	vst v18;
	s29 =	smov.u32 s1;
	(pc) =	sbr.rel @p0 .LBB2_3-.Ltmp4, $4  }
0x73: {  	v13 =	vmin.f32 v13, v11;
	v29 =	vsub.f32 v24, v9;
	v24 =	vmul.f32 v22, v22;
	v27 =	vld [tilespmem:s30+$0x20]  }
0x74: {  	v28 =	vsub.f32 v31, v8;
	v18 =	vmul.f32 v20, v20;
	v22 =	vld [tilespmem:s28+$0x10];
	v20 =	vsub.f32 v33, v9  }
0x75: {  	v25 =	vmul.f32 v25, v25;
	v23 =	vsub.f32 v17, v9;
	v11 =	vadd.f32 v32, v34;
	v26 =	vld [tilespmem:s28+$0xFFFFFFD0]  }
0x76: {  	v17 =	vmul.f32 v36, v36;
	s0 =	sadd.s32 $0x80, s0;
	s1 =	sadd.s32 $0x80, s1;
	v30 =	vadd.f32 v30, v18;
	v31 =	vsub.f32 v35, v9;
	v18 =	vld [tilespmem:s28+$0x20]  }
0x77: {  	v9 =	vmul.f32 v29, v29  }
0x78: {  	v21 =	vsub.f32 v21, v7;
	v16 =	vmul.f32 v16, v16;
	v28 =	vmul.f32 v28, v28  }
0x79: {  	v12 =	vsub.f32 v12, v8;
	v23 =	vmul.f32 v23, v23;
	v20 =	vmul.f32 v20, v20  }
0x7a: {  	v58 =	vmul.f32 v31, v31;
	v27 =	vsub.f32 v27, v8;
	v24 =	vadd.f32 v24, v30  }
0x7b: {  	v8 =	vsub.f32 v19, v8;
	v12 =	vmul.f32 v12, v12;
	v19 =	vsub.f32 v26, v7  }
0x7c: {  	v21 =	vmul.f32 v21, v21;
	v9 =	vadd.f32 v9, v25;
	v22 =	vsub.f32 v22, v7  }
0x7d: {  	v10 =	vadd.f32 v10, v28;
	v12 =	vadd.f32 v23, v12;
	v19 =	vmul.f32 v19, v19  }
0x7e: {  	v14 =	vadd.f32 v16, v14;
	v59 =	vmul.f32 v27, v27;
	v9 =	vadd.f32 v17, v9  }
0x7f: {  	v8 =	vmul.f32 v8, v8;
	v22 =	vmul.f32 v22, v22;
	v12 =	vadd.f32 v19, v12  }
0x80: {  	v10 =	vadd.f32 v15, v10;
	v7 =	vsub.f32 v18, v7;
	v13 =	vmin.f32 v13, v9  }
0x81: {  	v14 =	vadd.f32 v21, v14;
	v8 =	vadd.f32 v58, v8;
	v13 =	vmin.f32 v13, v12  }
0x82: {  	v15 =	vadd.f32 v20, v59;
	v7 =	vmul.f32 v7, v7;
	v13 =	vmin.f32 v13, v10  }
0x83: {  	v8 =	vadd.f32 v22, v8;
	v13 =	vmin.f32 v13, v24  }
0x84: {  	v7 =	vadd.f32 v7, v15;
	v13 =	vmin.f32 v13, v14  }
0x85: {  	v13 =	vmin.f32 v13, v8  }
0x86: {  	v13 =	vmin.f32 v13, v7  }
0x87: {  	v13 =	vmin.f32 v13, v11  }
0x88: {  	(xrf1) =	vsort.ascd.msk.f32 $0xffff, v13, v13;
	_ =	sdelay $0x6  }
0x89: {  	[tilespmem:s29+$0x30] =	vst v11  }
0x8a: {  	[tilespmem:s29+$0xFFFFFFF0] =	vst v24  }
0x8b: {  	[tilespmem:s29+$0xFFFFFFE0] =	vst v10  }
0x8c: {  	[tilespmem:s29+$0xFFFFFFC0] =	vst v9  }
0x8d: {  	[tilespmem:s29+$0x0] =	vst v14  }
0x8e: {  	[tilespmem:s29+$0xFFFFFFD0] =	vst v12  }
0x8f: {  	[tilespmem:s29+$0x10] =	vst v8  }
0x90: {  	[tilespmem:s29+$0x20] =	vst v7;
	v7, _, _ =	vpop (xrf1)  }
0x91: {  	[tilespmem:$0x8100] =	vst v7  }
0x92: {  	s0 =	simm.s32 $0x6040;
	v7 =	vld.idx.msk [tilespmem:v1+s19+$0x0], $0xffff  }
0x93: {  	v8 =	vld [tilespmem:s0+$0xFFFFFFC0]  }
0x94: {  	v9 =	vld [tilespmem:s0+$0xFFFFFFD0]  }
0x95: {  	v10 =	vld [tilespmem:s0+$0xFFFFFFE0]  }
0x96: {  	v11 =	vld [tilespmem:s0+$0xFFFFFFF0]  }
0x97: {  	v12 =	vld [tilespmem:s0+$0x0]  }
0x98: {  	v13 =	vimm.s32 $0x0;
	vm3 =	vle.f32 v8, v7;
	v8 =	vld [tilespmem:s0+$0x10]  }
0x99: {  	v14 =	vadd.s32 v2, v13;
	vm2 =	vle.f32 v9, v7;
	v9 =	vld [tilespmem:s0+$0x20];
	v15 =	vsel vm3, $0x1, v3  }
0x9a: {  	vm5 =	vle.f32 v10, v7;
	v13 =	vadd.s32 v15, v13;
	v15 =	vsel vm2, $0x1, v3  }
0x9b: {  	v10 =	vld [tilespmem:s0+$0x30];
	vm7 =	vle.f32 v11, v7;
	v17 =	vsel vm5, $0x1, v3;
	v15 =	vadd.s32 v15, v13  }
0x9c: {  	vm1 =	vle.f32 v12, v7;
	v11 =	vsel vm7, $0x1, v3;
	v17 =	vadd.s32 v17, v15  }
0x9d: {  	v12 =	vadd.s32 v11, v17;
	v11 =	vsel vm1, $0x1, v3;
	vm4 =	vle.f32 v8, v7  }
0x9e: {  	s0 =	simm.s32 $0x60C0;
	vm6 =	vle.f32 v9, v7;
	v8 =	vadd.s32 v11, v12;
	v11 =	vsel vm4, $0x1, v3  }
0x9f: {  	v16 =	vlaneseq.u32;
	v22 =	vld [tilespmem:s0+$0xFFFFFFD0];
	v9 =	vadd.s32 v11, v8;
	v11 =	vsel vm6, $0x1, v3  }
0xa0: {  	v19 =	vld [tilespmem:s0+$0xFFFFFFC0];
	vm8 =	vle.f32 v10, v7;
	v18 =	vadd.s32 v2, v9;
	v9 =	vadd.s32 v11, v9  }
0xa1: {  	v63 =	vadd.s32 $0x30, v16;
	vm5 =	vmmov vm5;
	v21 =	vadd.s32 v2, v9  }
0xa2: {  	vm2 =	vmmov vm2;
	v23 =	vadd.s32 v2, v17;
	v10 =	vsel vm8, $0x1, v3  }
0xa3: {  	v60 =	vadd.s32 v2, v12;
	v12 =	vadd.s32 v2, v13;
	v20 =	vadd.s32 v2, v8  }
0xa4: {  	v61 =	vld [tilespmem:s0+$0xFFFFFFE0];
	[tilespmem:v14+s20+$0x0] =	vst.idx.msk vm3, v16;
	v13 =	vadd.s32 $0x60, v16;
	v14 =	vadd.s32 $0x10, v16;
	vm3 =	vle.f32 v22, v7  }
0xa5: {  	v62 =	vld [tilespmem:s0+$0xFFFFFFF0];
	v9 =	vadd.s32 v10, v9;
	[tilespmem:v18+s20+$0x0] =	vst.idx.msk vm6, v13;
	v13 =	vadd.s32 $0x70, v16;
	vm6 =	vle.f32 v19, v7  }
0xa6: {  	v17 =	vld [tilespmem:s0+$0x0];
	v11 =	vadd.s32 v2, v15;
	v10 =	vadd.s32 v2, v9;
	[tilespmem:v21+s20+$0x0] =	vst.idx.msk vm8, v13;
	v13 =	vsel vm6, $0x1, v3  }
0xa7: {  	[tilespmem:v23+s20+$0x0] =	vst.idx.msk vm7, v63;
	v19 =	vadd.s32 $0x50, v16;
	v18 =	vld [tilespmem:s0+$0x10];
	v13 =	vadd.s32 v13, v9;
	v9 =	vsel vm3, $0x1, v3  }
0xa8: {  	v8 =	vadd.s32 $0x80, v16;
	v15 =	vadd.s32 $0x20, v16;
	v16 =	vadd.s32 $0x40, v16;
	[tilespmem:v20+s20+$0x0] =	vst.idx.msk vm4, v19;
	v19 =	vld [tilespmem:s0+$0x20]  }
0xa9: {  	vm4 =	vle.f32 v61, v7;
	[tilespmem:v60+s20+$0x0] =	vst.idx.msk vm1, v16;
	v20 =	vld [tilespmem:s0+$0x30]  }
0xaa: {  	s1 =	simm.s32 $0x80;
	vm1 =	vle.f32 v62, v7;
	v21 =	vsel vm4, $0x1, v3;
	v16 =	vadd.s32 v9, v13;
	v9 =	vmovc v8  }
.LBB2_5:
0xab: {  	s1 =	sadd.s32 $0x80, s1;
	v21 =	vadd.s32 v21, v16;
	v22 =	vsel vm1, $0x1, v3;
	vm7 =	vle.f32 v17, v7;
	[tilespmem:v11+s20+$0x0] =	vst.idx.msk vm5, v15  }
0xac: {  	p0 =	slt.u32 s1, $0xF80;
	v15 =	vadd.s32 v22, v21;
	v11 =	vsel vm7, $0x1, v3;
	vm8 =	vle.f32 v18, v7;
	[tilespmem:v12+s20+$0x0] =	vst.idx.msk vm2, v14  }
0xad: {  	[tilespmem:v10+s20+$0x0] =	vst.idx.msk vm6, v8;
	v10 =	vadd.s32 v11, v15;
	v11 =	vsel vm8, $0x1, v3;
	vm6 =	vle.f32 v19, v7  }
0xae: {  	v11 =	vadd.s32 v11, v10;
	v12 =	vsel vm6, $0x1, v3;
	vm9 =	vle.f32 v20, v7  }
0xaf: {  	s0 =	sadd.s32 $0x80, s0;
	v18 =	vadd.s32 v2, v11;
	v11 =	vadd.s32 v12, v11;
	v12 =	vsel vm9, $0x1, v3  }
0xb0: {  	v20 =	vadd.s32 v2, v10;
	v19 =	vld [tilespmem:s0+$0xFFFFFFC0];
	v22 =	vadd.s32 v2, v11;
	v23 =	vadd.s32 v12, v11  }
0xb1: {  	v25 =	vadd.s32 v2, v21;
	v11 =	vadd.s32 v2, v16;
	v16 =	vadd.s32 v2, v15;
	v24 =	vld [tilespmem:s0+$0xFFFFFFD0]  }
0xb2: {  	vm2 =	vmmov vm3;
	v12 =	vadd.s32 v2, v13;
	v10 =	vadd.s32 v2, v23;
	v21 =	vld [tilespmem:s0+$0xFFFFFFE0]  }
0xb3: {  	vm5 =	vmmov vm4;
	v8 =	vadd.s32 $0x80, v8;
	v13 =	vadd.s32 $0x60, v9;
	v26 =	vld [tilespmem:s0+$0xFFFFFFF0]  }
.Ltmp5:
0xb4: {  	v14 =	vadd.s32 $0x10, v9;
	v15 =	vadd.s32 $0x20, v9;
	v17 =	vld [tilespmem:s0+$0x0];
	[tilespmem:v18+s20+$0x0] =	vst.idx.msk vm6, v13;
	v13 =	vadd.s32 $0x70, v9;
	(pc) =	sbr.rel @p0 .LBB2_5-.Ltmp5, $4  }
0xb5: {  	v27 =	vadd.s32 $0x30, v9;
	v28 =	vadd.s32 $0x50, v9;
	vm6 =	vle.f32 v19, v7;
	v18 =	vld [tilespmem:s0+$0x10];
	[tilespmem:v22+s20+$0x0] =	vst.idx.msk vm9, v13  }
0xb6: {  	v22 =	vadd.s32 $0x40, v9;
	v9 =	vmovc v8;
	v13 =	vsel vm6, $0x1, v3;
	vm3 =	vle.f32 v24, v7;
	v19 =	vld [tilespmem:s0+$0x20];
	[tilespmem:v20+s20+$0x0] =	vst.idx.msk vm8, v28  }
0xb7: {  	v13 =	vadd.s32 v13, v23;
	v23 =	vsel vm3, $0x1, v3;
	vm4 =	vle.f32 v21, v7;
	v20 =	vld [tilespmem:s0+$0x30];
	[tilespmem:v16+s20+$0x0] =	vst.idx.msk vm7, v22  }
0xb8: {  	v16 =	vadd.s32 v23, v13;
	v21 =	vsel vm4, $0x1, v3;
	[tilespmem:v25+s20+$0x0] =	vst.idx.msk vm1, v27;
	vm1 =	vle.f32 v26, v7  }
0xb9: {  	v21 =	vadd.s32 v21, v16;
	v22 =	vsel vm1, $0x1, v3;
	vm7 =	vle.f32 v17, v7  }
0xba: {  	v46 =	vadd.s32 v22, v21;
	v47 =	vsel vm7, $0x1, v3;
	vm8 =	vle.f32 v18, v7  }
0xbb: {  	v48 =	vadd.s32 v47, v46;
	v49 =	vsel vm8, $0x1, v3;
	vm9 =	vle.f32 v19, v7  }
0xbc: {  	v50 =	vadd.s32 v49, v48;
	v51 =	vsel vm9, $0x1, v3;
	vm10 =	vle.f32 v20, v7  }
0xbd: {  	v52 =	vadd.s32 v51, v50;
	v7 =	vsel vm10, $0x1, v3  }
0xbe: {  	v7 =	vadd.s32 v7, v52  }
0xbf: {  	v53 =	vxor.u32 $0x80000000, v7  }
0xc0: {  	(xrf0) =	vmax.scan.msk.u32 $0xffff, v53;
	_ =	sdelay $0x5  }
0xc1: {  	v22, _, _ =	vpop (xrf0)  }
0xc2: {  	(v2sf) =	vpush v22, $0xF;
	_ =	sdelay $0x8  }
0xc3: {  	v57 =	vadd.s32 v2, v16  }
0xc4: {  	[tilespmem:v10+s20+$0x0] =	vst.idx.msk vm6, v8;
	v8 =	vadd.s32 v2, v21  }
0xc5: {  	vm3 =	vmmov vm3;
	v55 =	vadd.s32 v2, v46  }
0xc6: {  	[tilespmem:v11+s20+$0x0] =	vst.idx.msk vm5, v15;
	v13 =	vadd.s32 v2, v13  }
0xc7: {  	[tilespmem:v12+s20+$0x0] =	vst.idx.msk vm2, v14;
	v63 =	vadd.s32 $0x20, v9;
	v54 =	vadd.s32 v2, v48  }
0xc8: {  	v62 =	vadd.s32 $0x30, v9;
	v19 =	vadd.s32 v2, v50;
	[tilespmem:v57+s20+$0x0] =	vst.idx.msk vm4, v63  }
0xc9: {  	v60 =	vadd.s32 $0x40, v9;
	v20 =	vadd.s32 v2, v52;
	[tilespmem:v8+s20+$0x0] =	vst.idx.msk vm1, v62;
	s0 =	spop (v2sf)  }
0xca: {  	v61 =	vadd.s32 v2, v7;
	v8 =	vadd.s32 $0x10, v9;
	[tilespmem:v55+s20+$0x0] =	vst.idx.msk vm7, v60;
	p0 =	sgt.s32 s0, $0xFFFFFFFE  }
.Ltmp6:
0xcb: {  	v59 =	vadd.s32 $0x50, v9;
	[tilespmem:v13+s20+$0x0] =	vst.idx.msk vm3, v8;
	(pc) =	sbr.rel @p0 .LBB2_7-.Ltmp6, $4  }
0xcc: {  	v56 =	vadd.s32 $0x60, v9;
	[tilespmem:v54+s20+$0x0] =	vst.idx.msk vm8, v59  }
0xcd: {  	v58 =	vadd.s32 $0x70, v9;
	[tilespmem:v19+s20+$0x0] =	vst.idx.msk vm9, v56  }
0xce: {  	[tilespmem:v20+s20+$0x0] =	vst.idx.msk vm10, v58  }
0xcf: {  	vm2 =	vmmov vm4;
	[tilespmem:v61+s20+$0x0] =	vst.idx.msk $0xffff, v4  }
0xd0: {  	s1 =	simm.s32 $0x0  }
0xd1: {  	v8 =	vadd.s32 s1, v2;
	_ =	sdelay $0x4  }
0xd2: {  	v8 =	vld.idx.msk [tilespmem:v8+s20+$0x0], $0xffff;
	_ =	sdelay $0x2  }
0xd3: {  	s0 =	sand.u32 $0x7FFFFFFF, s0;
	v9 =	vmov s1  }
0xd4: {  	s0 =	sadd.s32 $0x1, s0;
	vm1 =	vgt.s32 v9, v7  }
0xd5: {  	p2 =	sne.s32 s0, $0x1;
	v10 =	vsel vm1, $0x1000, v8  }
.Ltmp7:
0xd6: {  	_ = 	snop;
	(pc) =	sbr.rel @!p2 .LBB2_9-.Ltmp7, $2  }
0xd7: {  	_ =	sdelay $0x2  }
0xd8: {  	p0 =	por $0x0, $0x0;
	p1 =	por $0x0, $0x0;
	s1 =	simm.s32 $0x1;
	v9 =	vimm.f32 $3.000000010e+38;
	v8 =	vimm.s32 $0x0;
	v11 =	vld.idx.msk [tilespmem:v10+s21+$0x0], $0xffff  }
0xd9: {  	v12 =	vadd.s32 s1, v2;
	_ =	sdelay $0x4  }
0xda: {  	v12 =	vld.idx.msk [tilespmem:v12+s20+$0x0], $0xffff;
	_ =	sdelay $0x2  }
0xdb: {  	v13 =	vmov s1  }
0xdc: {  	vm1 =	vgt.s32 v13, v7  }
0xdd: {  	p2 =	sne.s32 s0, $0x2;
	(xrf1) =	vsort.ascd.msk.f32 $0xffff, v11, v10;
	v10 =	vsel vm1, $0x1000, v12  }
.Ltmp8:
0xde: {  	_ = 	snop;
	(pc) =	sbr.rel @!p2 .LBB2_11-.Ltmp8, $2  }
0xdf: {  	_ =	sdelay $0x2  }
0xe0: {  	s1 =	simm.s32 $0x2;
	p0 =	por $0x1, $0x1;
	v11 =	vld.idx.msk [tilespmem:v10+s21+$0x0], $0xffff  }
0xe1: {  	_ = 	snop  }
0xe2: {  	v12 =	vadd.s32 s1, v2;
	_ =	sdelay $0x4  }
0xe3: {  	v12 =	vld.idx.msk [tilespmem:v12+s20+$0x0], $0xffff;
	_ =	sdelay $0x1  }
0xe4: {  	v13, v14, _ =	vpop (xrf1)  }
0xe5: {  	v15 =	vmov s1;
	(xrf1) =	vsort.ascd.msk.f32 $0xffff, v11, v10;
	v11 =	vperm.xlane v13, v5  }
0xe6: {  	vm1 =	vgt.s32 v15, v7;
	v63 =	vperm.xlane v14, v5  }
0xe7: {  	v10 =	vsel vm1, $0x1000, v12;
	vm1 =	vle.f32 v9, v11  }
0xe8: {  	v11 =	vsel vm1, v9, v11;
	v12 =	vsel vm1, v8, v63  }
0xe9: {  	(xrf1) =	vsort.ascd.msk.f32 $0xffff, v11, v12;
	_ =	sdelay $0x3  }
0xea: {  	p2 =	sne.s32 s0, $0x3  }
.Ltmp9:
0xeb: {  	_ = 	snop;
	(pc) =	sbr.rel @!p2 .LBB2_14-.Ltmp9, $2  }
0xec: {  	_ =	sdelay $0x2  }
0xed: {  	s1 =	simm.s32 $0x3;
	p1 =	por $0x1, $0x1;
	v11 =	vld.idx.msk [tilespmem:v10+s21+$0x0], $0xffff  }
.LBB2_13:
0xee: {  	v12 =	vadd.s32 s1, v2;
	s28 =	smov.u32 s1;
	s1 =	sadd.s32 $0x1, s1  }
0xef: {  	p2 =	sne.s32 s0, s1  }
0xf0: {  	v13, v14, _ =	vpop (xrf1)  }
0xf1: {  	v13 =	vperm.xlane v13, v5  }
0xf2: {  	v14 =	vperm.xlane v14, v5;
	v15, v16, _ =	vpop (xrf1)  }
0xf3: {  	v12 =	vld.idx.msk [tilespmem:v12+s20+$0x0], $0xffff;
	(xrf1) =	vsort.ascd.msk.f32 $0xffff, v11, v10;
	vm1 =	vle.f32 v15, v13  }
0xf4: {  	v10 =	vsel vm1, v15, v13;
	v11 =	vsel vm1, v16, v14  }
0xf5: {  	(xrf1) =	vsort.ascd.msk.f32 $0xffff, v10, v11;
	_ =	sdelay $0x1  }
0xf6: {  	v10 =	vmov s28  }
0xf7: {  	vm1 =	vgt.s32 v10, v7  }
0xf8: {  	v10 =	vsel vm1, $0x1000, v12  }
.Ltmp10:
0xf9: {  	(pc) =	sbr.rel @p2 .LBB2_13-.Ltmp10, $2  }
0xfa: {  	_ =	sdelay $0x2  }
0xfb: {  	v11 =	vld.idx.msk [tilespmem:v10+s21+$0x0], $0xffff  }
.LBB2_14:
0xfc: {  	_ =	sdelay $0x2  }
0xfd: {  	v7, v12, _ =	vpop @p0 (xrf1)  }
0xfe: {  	v7 =	vperm.xlane @p0 v7, v5;
	v13, v14, _ =	vpop @p1 (xrf1)  }
0xff: {  	v12 =	vperm.xlane @p0 v12, v5;
	v13 =	vpsel p1, v13, v9  }
0x100: {  	v14 =	vpsel p1, v14, v8;
	vm1 =	vle.f32 @p0 v13, v7  }
0x101: {  	(xrf1) =	vsort.ascd.msk.f32 $0xffff, v11, v10;
	v7 =	vsel @p0 vm1, v13, v7;
	v10 =	vsel @p0 vm1, v14, v12  }
0x102: {  	(xrf1) =	vsort.ascd.msk.f32 @p0 $0xffff, v7, v10;
	_ =	sdelay $0xc  }
0x103: {  	v7, v10, _ =	vpop (xrf1)  }
0x104: {  	v7 =	vperm.xlane v7, v5;
	v11, v12, _ =	vpop @p0 (xrf1)  }
0x105: {  	v10 =	vperm.xlane v10, v5;
	v9 =	vpsel p0, v11, v9  }
0x106: {  	v8 =	vpsel p0, v12, v8;
	vm1 =	vle.f32 v9, v7  }
0x107: {  	v7 =	vsel vm1, v9, v7;
	v8 =	vsel vm1, v8, v10  }
0x108: {  	(xrf1) =	vsort.ascd.msk.f32 $0xffff, v7, v8;
	_ =	sdelay $0xb  }
.Ltmp11:
0x109: {  	_ = 	snop;
	(pc) =	sbr.rel .LBB2_15-.Ltmp11, $4  }
0x10a: {  	_ = 	snop  }
0x10b: {  	v7, v8, _ =	vpop (xrf1)  }
0x10c: {  	vm1 =	vlt.s32 v8, $0xFFF  }
0x10d: {  	v8 =	vnsel vm1, $0xFFF, v8  }
.LBB2_9:
.Ltmp12:
0x10e: {  	(pc) =	sbr.rel .LBB2_14-.Ltmp12, $2  }
0x10f: {  	_ =	sdelay $0x2  }
0x110: {  	_ = 	snop  }
.LBB2_11:
.Ltmp13:
0x111: {  	(pc) =	sbr.rel .LBB2_14-.Ltmp13, $2  }
0x112: {  	_ =	sdelay $0x2  }
0x113: {  	_ = 	snop  }
.LBB2_17:
0x114: {  	_ =	sfence.sel $0x180000  }
0x115: {  	[bflag:$0x0] =	sbarrier.arrive $0xFFFF  }
0x116: {  	_ =	strace $0x90000047  }
0x117: {  	s0 =	stileid.u32;
	[bflag:$0x2] =	sbarrier.arrive $0xFFFF  }
0x118: {  	p0 =	sne.s32 s0, $0x0;
	s0 =	rddreg [dreg:$0x1]  }
0x119: {  	s0 =	sadd.s32 @!p0 $0x100000, s0  }
0x11a: {  	[sflag:s0] =	ssyncadd.tile.s32 @!p0 $0x1;
	_ =	shalt  }
.Lfunc_end2:
_tile_overlayer_lowered:
.L_overlay_start_2:
0x11b: {  	(tag) =	ssettag $0x2  }
0x11c: {  	s0 =	rddreg [dreg:$0x0];
	s2 =	stileid.u32  }
0x11d: {  	s1 =	rddreg [dreg:$0x1];
	p0 =	sne.s32 s2, $0x0  }
0x11e: {  	s3 =	rddreg [dreg:$0x2];
	[bflag:$0x3] =	sbarrier.arrive $0xFFFF;
	s2 =	simm.s32 @!p0 $0x1C02  }
0x11f: {  	[timem:s3], [sflag:s2] =	dma.local @!p0 [hbm:s0], s1  }
0x120: {  	s0 =	simm.s32 @!p0 $0x2  }
0x121: {  	_ =	swait.ge @!p0 [sflag:s0], s1  }
0x122: {  	s1 =	ssub.s32 @!p0 $0x0, s1;
	[sflag:s0] =	ssyncset.done @!p0 $0x0  }
0x123: {  	[sflag:s0] =	ssyncadd.s32 @!p0 s1  }
0x124: {  	[bflag:$0x3] =	sbarrier.arrive $0xFFFF  }
0x125: {  	_ =	shalt  }

</sc_bundles>
